<compile_context>
chip_gen: v7x
topology: tpu7x:2x2x1
jax: 0.10.2.dev20260603
libtpu: 0.0.44.dev20260713+nightly
codegen_flags: <defaults>
</compile_context>

<pallas_src>
import jax
import jax.numpy as jnp
from jax import lax
from jax.experimental import pallas as pl
from jax.experimental.pallas import tpu as pltpu
from jax.experimental.pallas import tpu_sc as plsc

NC = 2
NS = 16
NW = NC * NS
KM = 56
NB = 4

_MESH = plsc.VectorSubcoreMesh(core_axis_name="c", subcore_axis_name="s")
_SC_UNTILED = pltpu.CompilerParams(use_tc_tiling_on_sc=False)


def _sc_degree(dst3, ones_rows, zeros16, npad):
    nchunks, kd = dst3.shape[1:]
    rps = npad // NS

    def body(dst_hbm, ones_hbm, zeros_hbm, out_hbm, dst_v, ones_v, acc):
        cid = lax.axis_index("c")
        sid = lax.axis_index("s")
        wid = sid * NC + cid
        pltpu.sync_copy(zeros_hbm.at[pl.ds(sid * rps, rps)],
                        acc.at[pl.ds(sid * rps, rps)])
        pltpu.sync_copy(ones_hbm, ones_v)
        pltpu.sync_copy(dst_hbm.at[wid], dst_v)
        plsc.subcore_barrier()

        def step(c, carry):
            pltpu.sync_copy(ones_v, acc.at[dst_v.at[c]], add=True)
            return carry

        lax.fori_loop(0, nchunks, step, 0)
        plsc.subcore_barrier()
        pltpu.sync_copy(acc.at[pl.ds(sid * rps, rps)],
                        out_hbm.at[cid, pl.ds(sid * rps, rps)])

    f = pl.kernel(
        body,
        out_type=jax.ShapeDtypeStruct((NC, npad, 16), jnp.float32),
        mesh=_MESH,
        compiler_params=_SC_UNTILED,
        scratch_types=[
            pltpu.VMEM((nchunks, kd), jnp.int32),
            pltpu.VMEM((kd, 16), jnp.float32),
            pltpu.VMEM_SHARED((npad, 16), jnp.float32),
        ],
    )
    return f(dst3, ones_rows, zeros16)


def _sc_messages(g, src3, dst3, zeros, npad):
    n, d = g.shape
    nchunks = src3.shape[1]
    rps = npad // NS

    def body(g_hbm, src_hbm, dst_hbm, zeros_hbm, out_hbm,
             src_v, dst_v, rows, gsems, ssems, acc):
        cid = lax.axis_index("c")
        sid = lax.axis_index("s")
        wid = sid * NC + cid
        pltpu.sync_copy(zeros_hbm.at[pl.ds(sid * rps, rps)],
                        acc.at[pl.ds(sid * rps, rps)])
        pltpu.sync_copy(src_hbm.at[wid], src_v)
        pltpu.sync_copy(dst_hbm.at[wid], dst_v)
        plsc.subcore_barrier()

        def gather(c, b):
            pltpu.async_copy(g_hbm.at[src_v.at[c]], rows.at[b], gsems[b])

        def wait_gather(c, b):
            pltpu.make_async_copy(g_hbm.at[src_v.at[c]], rows.at[b],
                                  gsems[b]).wait()

        def scatter(c, b):
            pltpu.async_copy(rows.at[b], acc.at[dst_v.at[c]], ssems[b],
                             add=True)

        def wait_scatter(c, b):
            pltpu.make_async_copy(rows.at[b], acc.at[dst_v.at[c]],
                                  ssems[b]).wait()

        gather(0, 0)
        gather(1, 1)

        def step(c4, carry):
            for j in range(NB):
                c = NB * c4 + j
                b2 = (j + 2) % NB

                @pl.when(c + 2 < nchunks)
                def _():
                    @pl.when(c >= 2)
                    def _():
                        wait_scatter(c - 2, b2)
                    gather(c + 2, b2)

                wait_gather(c, j)
                scatter(c, j)
            return carry

        lax.fori_loop(0, nchunks // NB, step, 0)
        for j in range(NB):
            wait_scatter(nchunks - NB + j, j)
        plsc.subcore_barrier()
        pltpu.sync_copy(acc.at[pl.ds(sid * rps, rps)],
                        out_hbm.at[cid, pl.ds(sid * rps, rps)])

    f = pl.kernel(
        body,
        out_type=jax.ShapeDtypeStruct((NC, npad, d), jnp.float32),
        mesh=_MESH,
        compiler_params=_SC_UNTILED,
        scratch_types=[
            pltpu.VMEM((nchunks, KM), jnp.int32),
            pltpu.VMEM((nchunks, KM), jnp.int32),
            pltpu.VMEM((NB, KM, d), jnp.float32),
            [pltpu.SemaphoreType.DMA] * NB,
            [pltpu.SemaphoreType.DMA] * NB,
            pltpu.VMEM_SHARED((npad, d), jnp.float32),
        ],
    )
    return f(g, src3, dst3, zeros)


_ROWS = 1000


def _deg_specs():
    return [
        pl.BlockSpec((1, _ROWS, 16), lambda i: (0, i, 0)),
        pl.BlockSpec((1, _ROWS, 16), lambda i: (1, i, 0)),
    ]


def _sp_specs(dh):
    return [
        pl.BlockSpec((1, _ROWS, dh), lambda i: (0, i, 0)),
        pl.BlockSpec((1, _ROWS, dh), lambda i: (1, i, 0)),
    ]


def _tc_scale_matmul(x, w, degp):
    n, din = x.shape
    dh = w.shape[1]

    def body(x_ref, w_ref, dp0_ref, dp1_ref, g_ref):
        dinv = lax.rsqrt(dp0_ref[0][:, :1] + dp1_ref[0][:, :1] + 1.0)
        h = jnp.dot(x_ref[...], w_ref[...], preferred_element_type=jnp.float32)
        g_ref[...] = h * dinv

    return pl.pallas_call(
        body,
        grid=(n // _ROWS,),
        in_specs=[
            pl.BlockSpec((_ROWS, din), lambda i: (i, 0)),
            pl.BlockSpec((din, dh), lambda i: (0, 0)),
        ] + _deg_specs(),
        out_specs=pl.BlockSpec((_ROWS, dh), lambda i: (i, 0)),
        out_shape=jax.ShapeDtypeStruct((n, dh), jnp.float32),
    )(x, w, degp, degp)


def _tc_combine_matmul(sp, g, degp, b, w):
    n, dh = g.shape
    dout = w.shape[1]

    def body(s0_ref, s1_ref, g_ref, dp0_ref, dp1_ref, b_ref, w_ref, o_ref):
        dinv = lax.rsqrt(dp0_ref[0][:, :1] + dp1_ref[0][:, :1] + 1.0)
        s = s0_ref[0] + s1_ref[0] + g_ref[...]
        x2 = jnp.maximum(dinv * s + b_ref[...], 0.0)
        h2 = jnp.dot(x2, w_ref[...], preferred_element_type=jnp.float32)
        o_ref[...] = h2 * dinv

    return pl.pallas_call(
        body,
        grid=(n // _ROWS,),
        in_specs=_sp_specs(dh) + [
            pl.BlockSpec((_ROWS, dh), lambda i: (i, 0)),
        ] + _deg_specs() + [
            pl.BlockSpec((1, dh), lambda i: (0, 0)),
            pl.BlockSpec((dh, dout), lambda i: (0, 0)),
        ],
        out_specs=pl.BlockSpec((_ROWS, dout), lambda i: (i, 0)),
        out_shape=jax.ShapeDtypeStruct((n, dout), jnp.float32),
    )(sp, sp, g, degp, degp, b, w)


def _tc_combine(sp, g, degp, b):
    n, dh = g.shape

    def body(s0_ref, s1_ref, g_ref, dp0_ref, dp1_ref, b_ref, o_ref):
        dinv = lax.rsqrt(dp0_ref[0][:, :1] + dp1_ref[0][:, :1] + 1.0)
        s = s0_ref[0] + s1_ref[0] + g_ref[...]
        o_ref[...] = jnp.maximum(dinv * s + b_ref[...], 0.0)

    return pl.pallas_call(
        body,
        grid=(n // _ROWS,),
        in_specs=_sp_specs(dh) + [
            pl.BlockSpec((_ROWS, dh), lambda i: (i, 0)),
        ] + _deg_specs() + [
            pl.BlockSpec((1, dh), lambda i: (0, 0)),
        ],
        out_specs=pl.BlockSpec((_ROWS, dh), lambda i: (i, 0)),
        out_shape=jax.ShapeDtypeStruct((n, dh), jnp.float32),
    )(sp, sp, g, degp, degp, b)


def kernel(x, edge_index, W1, b1, W2, b2):
    n, _ = x.shape
    e = edge_index.shape[1]
    dh = W1.shape[1]
    rps = -(-((n + 1) // NS + 7) // 8) * 8
    npad = NS * rps

    c_msg = -(-(-(-e // (NW * KM))) // NB) * NB
    epad = NW * c_msg * KM - e
    pad_i = jnp.arange(epad, dtype=jnp.int32)
    src3 = jnp.concatenate(
        [edge_index[0], pad_i % n]).reshape(NW, c_msg, KM)
    dst3 = jnp.concatenate(
        [edge_index[1], n + pad_i % (npad - n)]).reshape(NW, c_msg, KM)

    epw = c_msg * KM
    kd = max(k for k in range(8, 129, 8) if epw % k == 0)
    dst3d = dst3.reshape(NW, epw // kd, kd)

    ones_rows = jnp.ones((kd, 16), jnp.float32)
    zeros16 = jnp.zeros((npad, 16), jnp.float32)
    zerosN = jnp.zeros((npad, dh), jnp.float32)
    b1r = b1.reshape(1, -1)
    b2r = b2.reshape(1, -1)

    degp = _sc_degree(dst3d, ones_rows, zeros16, npad)

    g1 = _tc_scale_matmul(x, W1, degp)
    sp1 = _sc_messages(g1, src3, dst3, zerosN, npad)
    g2 = _tc_combine_matmul(sp1, g1, degp, b1r, W2)
    sp2 = _sc_messages(g2, src3, dst3, zerosN, npad)
    return _tc_combine(sp2, g2, degp, b2r)

# --- scband reference (transcript-rebuilt; emitter-appended) ---
"""Pipeline reference for scband-gnn-42356967473290 (READ-ONLY COPY).

The authoritative reference and input builder live on the scoring server;
editing this copy changes nothing except your own understanding.
"""

import jax, jax.numpy as jnp
import numpy as np

N_NODES = 10000
N_EDGES = 320000
D_IN = 128
D_HID = 128


def _gcn_conv(x, edge_index, W, b):
    n = x.shape[0]
    loop = jnp.arange(n, dtype=edge_index.dtype)
    src = jnp.concatenate([edge_index[0], loop])
    dst = jnp.concatenate([edge_index[1], loop])
    ones = jnp.ones(src.shape[0], dtype=x.dtype)
    deg = jax.ops.segment_sum(ones, dst, num_segments=n)
    dinv = jnp.where(deg > 0, jax.lax.rsqrt(deg), 0.0)
    norm = dinv[src] * dinv[dst]
    h = x @ W
    msg = jnp.take(h, src, axis=0) * norm[:, None]
    out = jax.ops.segment_sum(msg, dst, num_segments=n)
    return out + b


def setup_inputs(seed: int = 0) -> dict:
    key = jax.random.key(seed)
    k1, k2, k3, k4, k5, k6 = jax.random.split(key, 6)
    x = jax.random.normal(k1, (N_NODES, D_IN), dtype=jnp.float32)
    edge_index = jax.random.randint(k2, (2, N_EDGES), 0, N_NODES, dtype=jnp.int32)
    s1 = 1.0 / np.sqrt(D_IN)
    s2 = 1.0 / np.sqrt(D_HID)
    W1 = jax.random.normal(k3, (D_IN, D_HID), dtype=jnp.float32) * s1
    b1 = jnp.zeros((D_HID,), dtype=jnp.float32)
    W2 = jax.random.normal(k4, (D_HID, D_HID), dtype=jnp.float32) * s2
    b2 = jnp.zeros((D_HID,), dtype=jnp.float32)
    return {"x": x, "edge_index": edge_index, "W1": W1, "b1": b1, "W2": W2, "b2": b2}


def reference(x, edge_index, W1, b1, W2, b2):
    h = jax.nn.relu(_gcn_conv(x, edge_index, W1, b1))
    h = jax.nn.relu(_gcn_conv(h, edge_index, W2, b2))
    return h

if __name__ == "__main__":
    import jax
    _d = setup_inputs()
    print(jax.jit(kernel)(*tuple(_d.values())))

</pallas_src>

<mosaic_0001>
#map = affine_map<(d0, d1) -> (0, 0, 0)>
#map1 = affine_map<(d0, d1) -> (0, 0)>
module attributes {stable_mosaic.version = 14 : i64} {
  func.func @body(%arg0: i32, %arg1: i32, %arg2: memref<32x84x120xi32, #tpu.memory_space<hbm>>, %arg3: memref<120x16xf32, #tpu.memory_space<hbm>>, %arg4: memref<10112x16xf32, #tpu.memory_space<hbm>>, %arg5: memref<2x10112x16xf32, #tpu.memory_space<hbm>>, %arg6: memref<84x120xi32, #tpu.memory_space<vmem>>, %arg7: memref<120x16xf32, #tpu.memory_space<vmem>>, %arg8: memref<10112x16xf32, #tpu.memory_space<vmem_shared>>) attributes {dimension_semantics = [#tpu.dimension_semantics<core_parallel>, #tpu.dimension_semantics<subcore_parallel>], iteration_bounds = array<i64: 2, 16>, scalar_prefetch = 0 : i64, scratch_operands = 3 : i64, tpu.core_type = #tpu.core_type<sc_vector_subcore>, window_params = [{transform_indices = #map}, {transform_indices = #map1}, {transform_indices = #map1}, {transform_indices = #map}]} {
    %mul3A = arith.constant 2 : i32
    %mul3A_0 = arith.muli %arg1, %mul3A : i32
    %add3A = arith.addi %mul3A_0, %arg0 : i32
    %mul3A_1 = arith.constant 632 : i32
    %mul3A_2 = arith.muli %arg1, %mul3A_1 : i32
    %mul3A_3 = arith.constant 632 : i32
    %mul3A_4 = arith.muli %arg1, %mul3A_3 : i32
    "tpu.region"() ({
      %run_scoped3A = tpu.sem_alloc : memref<!tpu.dma_semaphore, #tpu.memory_space<semaphore_mem>>
      %dma_start3A = arith.constant 0 : i32
      %dma_start3A_15 = tpu.memref_slice %arg8[%mul3A_4, %dma_start3A] : memref<10112x16xf32, #tpu.memory_space<vmem_shared>> -> memref<632x16xf32, #tpu.memory_space<vmem_shared>>
      %dma_start3A_16 = arith.constant 0 : i32
      %dma_start3A_17 = tpu.memref_slice %arg4[%mul3A_2, %dma_start3A_16] : memref<10112x16xf32, #tpu.memory_space<hbm>> -> memref<632x16xf32, #tpu.memory_space<hbm>>
      tpu.enqueue_dma source(%dma_start3A_17 : memref<632x16xf32, #tpu.memory_space<hbm>>) target(%dma_start3A_15 : memref<632x16xf32, #tpu.memory_space<vmem_shared>>) target_semaphore(%run_scoped3A : memref<!tpu.dma_semaphore, #tpu.memory_space<semaphore_mem>>)
      %dma_wait3A = arith.constant 0 : i32
      %dma_wait3A_18 = tpu.memref_slice %arg8[%mul3A_4, %dma_wait3A] : memref<10112x16xf32, #tpu.memory_space<vmem_shared>> -> memref<632x16xf32, #tpu.memory_space<vmem_shared>>
      %dma_wait3A_19 = arith.constant 0 : i32
      %dma_wait3A_20 = tpu.memref_slice %arg4[%mul3A_2, %dma_wait3A_19] : memref<10112x16xf32, #tpu.memory_space<hbm>> -> memref<632x16xf32, #tpu.memory_space<hbm>>
      tpu.wait_dma2 semaphore(%run_scoped3A : memref<!tpu.dma_semaphore, #tpu.memory_space<semaphore_mem>>) src(%dma_wait3A_20 : memref<632x16xf32, #tpu.memory_space<hbm>>) dst(%dma_wait3A_18 : memref<632x16xf32, #tpu.memory_space<vmem_shared>>)
      tpu.yield
    }) : () -> ()
    "tpu.region"() ({
      %run_scoped3A = tpu.sem_alloc : memref<!tpu.dma_semaphore, #tpu.memory_space<semaphore_mem>>
      tpu.enqueue_dma source(%arg3 : memref<120x16xf32, #tpu.memory_space<hbm>>) target(%arg7 : memref<120x16xf32, #tpu.memory_space<vmem>>) target_semaphore(%run_scoped3A : memref<!tpu.dma_semaphore, #tpu.memory_space<semaphore_mem>>)
      tpu.wait_dma2 semaphore(%run_scoped3A : memref<!tpu.dma_semaphore, #tpu.memory_space<semaphore_mem>>) src(%arg3 : memref<120x16xf32, #tpu.memory_space<hbm>>) dst(%arg7 : memref<120x16xf32, #tpu.memory_space<vmem>>)
      tpu.yield
    }) : () -> ()
    "tpu.region"() ({
      %run_scoped3A = tpu.sem_alloc : memref<!tpu.dma_semaphore, #tpu.memory_space<semaphore_mem>>
      %dma_start3A = arith.constant 0 : i32
      %dma_start3A_15 = arith.constant 0 : i32
      %dma_start3A_16 = tpu.memref_slice %arg2[%add3A, %dma_start3A, %dma_start3A_15] : memref<32x84x120xi32, #tpu.memory_space<hbm>> -> memref<1x84x120xi32, #tpu.memory_space<hbm>>
      %dma_start3A_17 = tpu.memref_squeeze %dma_start3A_16 : memref<1x84x120xi32, #tpu.memory_space<hbm>> -> memref<84x120xi32, #tpu.memory_space<hbm>>
      %dma_start3A_18 = arith.constant 0 : i32
      %dma_start3A_19 = arith.constant 0 : i32
      %dma_start3A_20 = tpu.memref_slice %arg2[%add3A, %dma_start3A_18, %dma_start3A_19] : memref<32x84x120xi32, #tpu.memory_space<hbm>> -> memref<1x84x120xi32, #tpu.memory_space<hbm>>
      %dma_start3A_21 = tpu.memref_squeeze %dma_start3A_20 : memref<1x84x120xi32, #tpu.memory_space<hbm>> -> memref<84x120xi32, #tpu.memory_space<hbm>>
      tpu.enqueue_dma source(%dma_start3A_21 : memref<84x120xi32, #tpu.memory_space<hbm>>) target(%arg6 : memref<84x120xi32, #tpu.memory_space<vmem>>) target_semaphore(%run_scoped3A : memref<!tpu.dma_semaphore, #tpu.memory_space<semaphore_mem>>)
      %dma_wait3A = arith.constant 0 : i32
      %dma_wait3A_22 = arith.constant 0 : i32
      %dma_wait3A_23 = tpu.memref_slice %arg2[%add3A, %dma_wait3A, %dma_wait3A_22] : memref<32x84x120xi32, #tpu.memory_space<hbm>> -> memref<1x84x120xi32, #tpu.memory_space<hbm>>
      %dma_wait3A_24 = tpu.memref_squeeze %dma_wait3A_23 : memref<1x84x120xi32, #tpu.memory_space<hbm>> -> memref<84x120xi32, #tpu.memory_space<hbm>>
      %dma_wait3A_25 = arith.constant 0 : i32
      %dma_wait3A_26 = arith.constant 0 : i32
      %dma_wait3A_27 = tpu.memref_slice %arg2[%add3A, %dma_wait3A_25, %dma_wait3A_26] : memref<32x84x120xi32, #tpu.memory_space<hbm>> -> memref<1x84x120xi32, #tpu.memory_space<hbm>>
      %dma_wait3A_28 = tpu.memref_squeeze %dma_wait3A_27 : memref<1x84x120xi32, #tpu.memory_space<hbm>> -> memref<84x120xi32, #tpu.memory_space<hbm>>
      tpu.wait_dma2 semaphore(%run_scoped3A : memref<!tpu.dma_semaphore, #tpu.memory_space<semaphore_mem>>) src(%dma_wait3A_28 : memref<84x120xi32, #tpu.memory_space<hbm>>) dst(%arg6 : memref<84x120xi32, #tpu.memory_space<vmem>>)
      tpu.yield
    }) : () -> ()
    %barrier3A = arith.constant 0 : index
    tpu.barrier barrier_id(%barrier3A)
    %scan3A = arith.constant 0 : i32
    %scan3A_5 = arith.constant 0 : i32
    %scan3A_6 = arith.constant 84 : i32
    %scan3A_7 = arith.addi %scan3A_5, %scan3A_6 : i32
    %scan3A_8 = arith.constant 1 : i32
    scf.for %scan3A_15 = %scan3A_5 to %scan3A_7 step %scan3A_8  : i32 {
      "tpu.region"() ({
        %run_scoped3A = tpu.sem_alloc : memref<!tpu.dma_semaphore, #tpu.memory_space<semaphore_mem>>
        %dma_start3A = arith.constant 0 : i32
        %dma_start3A_16 = tpu.memref_slice %arg6[%scan3A_15, %dma_start3A] : memref<84x120xi32, #tpu.memory_space<vmem>> -> memref<1x120xi32, #tpu.memory_space<vmem>>
        %dma_start3A_17 = tpu.memref_squeeze %dma_start3A_16 : memref<1x120xi32, #tpu.memory_space<vmem>> -> memref<120xi32, #tpu.memory_space<vmem>>
        %dma_start3A_18 = arith.constant 0 : i32
        %dma_start3A_19 = arith.constant 0 : i32
        %dma_start3A_20 = tpu.memref_slice %arg8[%dma_start3A_18, %dma_start3A_19] : memref<10112x16xf32, #tpu.memory_space<vmem_shared>> -> memref<10112x16xf32, #tpu.memory_space<vmem_shared>>
        tpu.enqueue_indirect_dma source(%arg7 : memref<120x16xf32, #tpu.memory_space<vmem>>) target(%dma_start3A_20 : memref<10112x16xf32, #tpu.memory_space<vmem_shared>>) offsets(%dma_start3A_17 : memref<120xi32, #tpu.memory_space<vmem>>) semaphore(%run_scoped3A : memref<!tpu.dma_semaphore, #tpu.memory_space<semaphore_mem>>) {add = true}
        %dma_wait3A = arith.constant 0 : i32
        %dma_wait3A_21 = tpu.memref_slice %arg6[%scan3A_15, %dma_wait3A] : memref<84x120xi32, #tpu.memory_space<vmem>> -> memref<1x120xi32, #tpu.memory_space<vmem>>
        %dma_wait3A_22 = tpu.memref_squeeze %dma_wait3A_21 : memref<1x120xi32, #tpu.memory_space<vmem>> -> memref<120xi32, #tpu.memory_space<vmem>>
        %dma_wait3A_23 = arith.constant 0 : i32
        %dma_wait3A_24 = arith.constant 0 : i32
        %dma_wait3A_25 = tpu.memref_slice %arg8[%dma_wait3A_23, %dma_wait3A_24] : memref<10112x16xf32, #tpu.memory_space<vmem_shared>> -> memref<10112x16xf32, #tpu.memory_space<vmem_shared>>
        tpu.wait_indirect_dma semaphore(%run_scoped3A : memref<!tpu.dma_semaphore, #tpu.memory_space<semaphore_mem>>) src(%arg7 : memref<120x16xf32, #tpu.memory_space<vmem>>) dst(%dma_wait3A_25 : memref<10112x16xf32, #tpu.memory_space<vmem_shared>>)
        tpu.yield
      }) : () -> ()
    }
    %scan3A_9 = arith.constant 84 : i32
    %barrier3A_10 = arith.constant 0 : index
    tpu.barrier barrier_id(%barrier3A_10)
    %mul3A_11 = arith.constant 632 : i32
    %mul3A_12 = arith.muli %arg1, %mul3A_11 : i32
    %mul3A_13 = arith.constant 632 : i32
    %mul3A_14 = arith.muli %arg1, %mul3A_13 : i32
    "tpu.region"() ({
      %run_scoped3A = tpu.sem_alloc : memref<!tpu.dma_semaphore, #tpu.memory_space<semaphore_mem>>
      %dma_start3A = arith.constant 0 : i32
      %dma_start3A_15 = tpu.memref_slice %arg5[%arg0, %mul3A_14, %dma_start3A] : memref<2x10112x16xf32, #tpu.memory_space<hbm>> -> memref<1x632x16xf32, #tpu.memory_space<hbm>>
      %dma_start3A_16 = tpu.memref_squeeze %dma_start3A_15 : memref<1x632x16xf32, #tpu.memory_space<hbm>> -> memref<632x16xf32, #tpu.memory_space<hbm>>
      %dma_start3A_17 = arith.constant 0 : i32
      %dma_start3A_18 = tpu.memref_slice %arg8[%mul3A_12, %dma_start3A_17] : memref<10112x16xf32, #tpu.memory_space<vmem_shared>> -> memref<632x16xf32, #tpu.memory_space<vmem_shared>>
      tpu.enqueue_dma source(%dma_start3A_18 : memref<632x16xf32, #tpu.memory_space<vmem_shared>>) target(%dma_start3A_16 : memref<632x16xf32, #tpu.memory_space<hbm>>) target_semaphore(%run_scoped3A : memref<!tpu.dma_semaphore, #tpu.memory_space<semaphore_mem>>)
      %dma_wait3A = arith.constant 0 : i32
      %dma_wait3A_19 = tpu.memref_slice %arg5[%arg0, %mul3A_14, %dma_wait3A] : memref<2x10112x16xf32, #tpu.memory_space<hbm>> -> memref<1x632x16xf32, #tpu.memory_space<hbm>>
      %dma_wait3A_20 = tpu.memref_squeeze %dma_wait3A_19 : memref<1x632x16xf32, #tpu.memory_space<hbm>> -> memref<632x16xf32, #tpu.memory_space<hbm>>
      %dma_wait3A_21 = arith.constant 0 : i32
      %dma_wait3A_22 = tpu.memref_slice %arg8[%mul3A_12, %dma_wait3A_21] : memref<10112x16xf32, #tpu.memory_space<vmem_shared>> -> memref<632x16xf32, #tpu.memory_space<vmem_shared>>
      tpu.wait_dma2 semaphore(%run_scoped3A : memref<!tpu.dma_semaphore, #tpu.memory_space<semaphore_mem>>) src(%dma_wait3A_22 : memref<632x16xf32, #tpu.memory_space<vmem_shared>>) dst(%dma_wait3A_20 : memref<632x16xf32, #tpu.memory_space<hbm>>)
      tpu.yield
    }) : () -> ()
    return
  }
}

#map = affine_map<(d0, d1) -> (0, 0)>
#map1 = affine_map<(d0, d1) -> (0, 0, 0)>
module attributes {stable_mosaic.version = 14 : i64} {
  func.func @body(%arg0: i32, %arg1: i32, %arg2: memref<10000x128xf32, #tpu.memory_space<hbm>>, %arg3: memref<32x180x56xi32, #tpu.memory_space<hbm>>, %arg4: memref<32x180x56xi32, #tpu.memory_space<hbm>>, %arg5: memref<10112x128xf32, #tpu.memory_space<hbm>>, %arg6: memref<2x10112x128xf32, #tpu.memory_space<hbm>>, %arg7: memref<180x56xi32, #tpu.memory_space<vmem>>, %arg8: memref<180x56xi32, #tpu.memory_space<vmem>>, %arg9: memref<4x56x128xf32, #tpu.memory_space<vmem>>, %arg10: memref<!tpu.dma_semaphore, #tpu.memory_space<semaphore_mem>>, %arg11: memref<!tpu.dma_semaphore, #tpu.memory_space<semaphore_mem>>, %arg12: memref<!tpu.dma_semaphore, #tpu.memory_space<semaphore_mem>>, %arg13: memref<!tpu.dma_semaphore, #tpu.memory_space<semaphore_mem>>, %arg14: memref<!tpu.dma_semaphore, #tpu.memory_space<semaphore_mem>>, %arg15: memref<!tpu.dma_semaphore, #tpu.memory_space<semaphore_mem>>, %arg16: memref<!tpu.dma_semaphore, #tpu.memory_space<semaphore_mem>>, %arg17: memref<!tpu.dma_semaphore, #tpu.memory_space<semaphore_mem>>, %arg18: memref<10112x128xf32, #tpu.memory_space<vmem_shared>>) attributes {dimension_semantics = [#tpu.dimension_semantics<core_parallel>, #tpu.dimension_semantics<subcore_parallel>], iteration_bounds = array<i64: 2, 16>, scalar_prefetch = 0 : i64, scratch_operands = 12 : i64, tpu.core_type = #tpu.core_type<sc_vector_subcore>, window_params = [{transform_indices = #map}, {transform_indices = #map1}, {transform_indices = #map1}, {transform_indices = #map}, {transform_indices = #map1}]} {
    %mul3A = arith.constant 2 : i32
    %mul3A_0 = arith.muli %arg1, %mul3A : i32
    %add3A = arith.addi %mul3A_0, %arg0 : i32
    %mul3A_1 = arith.constant 632 : i32
    %mul3A_2 = arith.muli %arg1, %mul3A_1 : i32
    %mul3A_3 = arith.constant 632 : i32
    %mul3A_4 = arith.muli %arg1, %mul3A_3 : i32
    "tpu.region"() ({
      %run_scoped3A = tpu.sem_alloc : memref<!tpu.dma_semaphore, #tpu.memory_space<semaphore_mem>>
      %dma_start3A_85 = arith.constant 0 : i32
      %dma_start3A_86 = tpu.memref_slice %arg18[%mul3A_4, %dma_start3A_85] : memref<10112x128xf32, #tpu.memory_space<vmem_shared>> -> memref<632x128xf32, #tpu.memory_space<vmem_shared>>
      %dma_start3A_87 = arith.constant 0 : i32
      %dma_start3A_88 = tpu.memref_slice %arg5[%mul3A_2, %dma_start3A_87] : memref<10112x128xf32, #tpu.memory_space<hbm>> -> memref<632x128xf32, #tpu.memory_space<hbm>>
      tpu.enqueue_dma source(%dma_start3A_88 : memref<632x128xf32, #tpu.memory_space<hbm>>) target(%dma_start3A_86 : memref<632x128xf32, #tpu.memory_space<vmem_shared>>) target_semaphore(%run_scoped3A : memref<!tpu.dma_semaphore, #tpu.memory_space<semaphore_mem>>)
      %dma_wait3A_89 = arith.constant 0 : i32
      %dma_wait3A_90 = tpu.memref_slice %arg18[%mul3A_4, %dma_wait3A_89] : memref<10112x128xf32, #tpu.memory_space<vmem_shared>> -> memref<632x128xf32, #tpu.memory_space<vmem_shared>>
      %dma_wait3A_91 = arith.constant 0 : i32
      %dma_wait3A_92 = tpu.memref_slice %arg5[%mul3A_2, %dma_wait3A_91] : memref<10112x128xf32, #tpu.memory_space<hbm>> -> memref<632x128xf32, #tpu.memory_space<hbm>>
      tpu.wait_dma2 semaphore(%run_scoped3A : memref<!tpu.dma_semaphore, #tpu.memory_space<semaphore_mem>>) src(%dma_wait3A_92 : memref<632x128xf32, #tpu.memory_space<hbm>>) dst(%dma_wait3A_90 : memref<632x128xf32, #tpu.memory_space<vmem_shared>>)
      tpu.yield
    }) : () -> ()
    "tpu.region"() ({
      %run_scoped3A = tpu.sem_alloc : memref<!tpu.dma_semaphore, #tpu.memory_space<semaphore_mem>>
      %dma_start3A_85 = arith.constant 0 : i32
      %dma_start3A_86 = arith.constant 0 : i32
      %dma_start3A_87 = tpu.memref_slice %arg3[%add3A, %dma_start3A_85, %dma_start3A_86] : memref<32x180x56xi32, #tpu.memory_space<hbm>> -> memref<1x180x56xi32, #tpu.memory_space<hbm>>
      %dma_start3A_88 = tpu.memref_squeeze %dma_start3A_87 : memref<1x180x56xi32, #tpu.memory_space<hbm>> -> memref<180x56xi32, #tpu.memory_space<hbm>>
      %dma_start3A_89 = arith.constant 0 : i32
      %dma_start3A_90 = arith.constant 0 : i32
      %dma_start3A_91 = tpu.memref_slice %arg3[%add3A, %dma_start3A_89, %dma_start3A_90] : memref<32x180x56xi32, #tpu.memory_space<hbm>> -> memref<1x180x56xi32, #tpu.memory_space<hbm>>
      %dma_start3A_92 = tpu.memref_squeeze %dma_start3A_91 : memref<1x180x56xi32, #tpu.memory_space<hbm>> -> memref<180x56xi32, #tpu.memory_space<hbm>>
      tpu.enqueue_dma source(%dma_start3A_92 : memref<180x56xi32, #tpu.memory_space<hbm>>) target(%arg7 : memref<180x56xi32, #tpu.memory_space<vmem>>) target_semaphore(%run_scoped3A : memref<!tpu.dma_semaphore, #tpu.memory_space<semaphore_mem>>)
      %dma_wait3A_93 = arith.constant 0 : i32
      %dma_wait3A_94 = arith.constant 0 : i32
      %dma_wait3A_95 = tpu.memref_slice %arg3[%add3A, %dma_wait3A_93, %dma_wait3A_94] : memref<32x180x56xi32, #tpu.memory_space<hbm>> -> memref<1x180x56xi32, #tpu.memory_space<hbm>>
      %dma_wait3A_96 = tpu.memref_squeeze %dma_wait3A_95 : memref<1x180x56xi32, #tpu.memory_space<hbm>> -> memref<180x56xi32, #tpu.memory_space<hbm>>
      %dma_wait3A_97 = arith.constant 0 : i32
      %dma_wait3A_98 = arith.constant 0 : i32
      %dma_wait3A_99 = tpu.memref_slice %arg3[%add3A, %dma_wait3A_97, %dma_wait3A_98] : memref<32x180x56xi32, #tpu.memory_space<hbm>> -> memref<1x180x56xi32, #tpu.memory_space<hbm>>
      %dma_wait3A_100 = tpu.memref_squeeze %dma_wait3A_99 : memref<1x180x56xi32, #tpu.memory_space<hbm>> -> memref<180x56xi32, #tpu.memory_space<hbm>>
      tpu.wait_dma2 semaphore(%run_scoped3A : memref<!tpu.dma_semaphore, #tpu.memory_space<semaphore_mem>>) src(%dma_wait3A_100 : memref<180x56xi32, #tpu.memory_space<hbm>>) dst(%arg7 : memref<180x56xi32, #tpu.memory_space<vmem>>)
      tpu.yield
    }) : () -> ()
    "tpu.region"() ({
      %run_scoped3A = tpu.sem_alloc : memref<!tpu.dma_semaphore, #tpu.memory_space<semaphore_mem>>
      %dma_start3A_85 = arith.constant 0 : i32
      %dma_start3A_86 = arith.constant 0 : i32
      %dma_start3A_87 = tpu.memref_slice %arg4[%add3A, %dma_start3A_85, %dma_start3A_86] : memref<32x180x56xi32, #tpu.memory_space<hbm>> -> memref<1x180x56xi32, #tpu.memory_space<hbm>>
      %dma_start3A_88 = tpu.memref_squeeze %dma_start3A_87 : memref<1x180x56xi32, #tpu.memory_space<hbm>> -> memref<180x56xi32, #tpu.memory_space<hbm>>
      %dma_start3A_89 = arith.constant 0 : i32
      %dma_start3A_90 = arith.constant 0 : i32
      %dma_start3A_91 = tpu.memref_slice %arg4[%add3A, %dma_start3A_89, %dma_start3A_90] : memref<32x180x56xi32, #tpu.memory_space<hbm>> -> memref<1x180x56xi32, #tpu.memory_space<hbm>>
      %dma_start3A_92 = tpu.memref_squeeze %dma_start3A_91 : memref<1x180x56xi32, #tpu.memory_space<hbm>> -> memref<180x56xi32, #tpu.memory_space<hbm>>
      tpu.enqueue_dma source(%dma_start3A_92 : memref<180x56xi32, #tpu.memory_space<hbm>>) target(%arg8 : memref<180x56xi32, #tpu.memory_space<vmem>>) target_semaphore(%run_scoped3A : memref<!tpu.dma_semaphore, #tpu.memory_space<semaphore_mem>>)
      %dma_wait3A_93 = arith.constant 0 : i32
      %dma_wait3A_94 = arith.constant 0 : i32
      %dma_wait3A_95 = tpu.memref_slice %arg4[%add3A, %dma_wait3A_93, %dma_wait3A_94] : memref<32x180x56xi32, #tpu.memory_space<hbm>> -> memref<1x180x56xi32, #tpu.memory_space<hbm>>
      %dma_wait3A_96 = tpu.memref_squeeze %dma_wait3A_95 : memref<1x180x56xi32, #tpu.memory_space<hbm>> -> memref<180x56xi32, #tpu.memory_space<hbm>>
      %dma_wait3A_97 = arith.constant 0 : i32
      %dma_wait3A_98 = arith.constant 0 : i32
      %dma_wait3A_99 = tpu.memref_slice %arg4[%add3A, %dma_wait3A_97, %dma_wait3A_98] : memref<32x180x56xi32, #tpu.memory_space<hbm>> -> memref<1x180x56xi32, #tpu.memory_space<hbm>>
      %dma_wait3A_100 = tpu.memref_squeeze %dma_wait3A_99 : memref<1x180x56xi32, #tpu.memory_space<hbm>> -> memref<180x56xi32, #tpu.memory_space<hbm>>
      tpu.wait_dma2 semaphore(%run_scoped3A : memref<!tpu.dma_semaphore, #tpu.memory_space<semaphore_mem>>) src(%dma_wait3A_100 : memref<180x56xi32, #tpu.memory_space<hbm>>) dst(%arg8 : memref<180x56xi32, #tpu.memory_space<vmem>>)
      tpu.yield
    }) : () -> ()
    %barrier3A = arith.constant 0 : index
    tpu.barrier barrier_id(%barrier3A)
    %dma_start3A = arith.constant 0 : i32
    %dma_start3A_5 = arith.constant 0 : i32
    %dma_start3A_6 = arith.constant 0 : i32
    %dma_start3A_7 = arith.constant 0 : i32
    %dma_start3A_8 = tpu.memref_slice %arg9[%dma_start3A_5, %dma_start3A_6, %dma_start3A_7] : memref<4x56x128xf32, #tpu.memory_space<vmem>> -> memref<1x56x128xf32, #tpu.memory_space<vmem>>
    %dma_start3A_9 = tpu.memref_squeeze %dma_start3A_8 : memref<1x56x128xf32, #tpu.memory_space<vmem>> -> memref<56x128xf32, #tpu.memory_space<vmem>>
    %dma_start3A_10 = arith.constant 0 : i32
    %dma_start3A_11 = tpu.memref_slice %arg7[%dma_start3A, %dma_start3A_10] : memref<180x56xi32, #tpu.memory_space<vmem>> -> memref<1x56xi32, #tpu.memory_space<vmem>>
    %dma_start3A_12 = tpu.memref_squeeze %dma_start3A_11 : memref<1x56xi32, #tpu.memory_space<vmem>> -> memref<56xi32, #tpu.memory_space<vmem>>
    %dma_start3A_13 = arith.constant 0 : i32
    %dma_start3A_14 = arith.constant 0 : i32
    %dma_start3A_15 = tpu.memref_slice %arg2[%dma_start3A_13, %dma_start3A_14] : memref<10000x128xf32, #tpu.memory_space<hbm>> -> memref<10000x128xf32, #tpu.memory_space<hbm>>
    tpu.enqueue_indirect_dma source(%dma_start3A_15 : memref<10000x128xf32, #tpu.memory_space<hbm>>) target(%dma_start3A_9 : memref<56x128xf32, #tpu.memory_space<vmem>>) offsets(%dma_start3A_12 : memref<56xi32, #tpu.memory_space<vmem>>) semaphore(%arg10 : memref<!tpu.dma_semaphore, #tpu.memory_space<semaphore_mem>>)
    %dma_start3A_16 = arith.constant 1 : i32
    %dma_start3A_17 = arith.constant 1 : i32
    %dma_start3A_18 = arith.constant 0 : i32
    %dma_start3A_19 = arith.constant 0 : i32
    %dma_start3A_20 = tpu.memref_slice %arg9[%dma_start3A_17, %dma_start3A_18, %dma_start3A_19] : memref<4x56x128xf32, #tpu.memory_space<vmem>> -> memref<1x56x128xf32, #tpu.memory_space<vmem>>
    %dma_start3A_21 = tpu.memref_squeeze %dma_start3A_20 : memref<1x56x128xf32, #tpu.memory_space<vmem>> -> memref<56x128xf32, #tpu.memory_space<vmem>>
    %dma_start3A_22 = arith.constant 0 : i32
    %dma_start3A_23 = tpu.memref_slice %arg7[%dma_start3A_16, %dma_start3A_22] : memref<180x56xi32, #tpu.memory_space<vmem>> -> memref<1x56xi32, #tpu.memory_space<vmem>>
    %dma_start3A_24 = tpu.memref_squeeze %dma_start3A_23 : memref<1x56xi32, #tpu.memory_space<vmem>> -> memref<56xi32, #tpu.memory_space<vmem>>
    %dma_start3A_25 = arith.constant 0 : i32
    %dma_start3A_26 = arith.constant 0 : i32
    %dma_start3A_27 = tpu.memref_slice %arg2[%dma_start3A_25, %dma_start3A_26] : memref<10000x128xf32, #tpu.memory_space<hbm>> -> memref<10000x128xf32, #tpu.memory_space<hbm>>
    tpu.enqueue_indirect_dma source(%dma_start3A_27 : memref<10000x128xf32, #tpu.memory_space<hbm>>) target(%dma_start3A_21 : memref<56x128xf32, #tpu.memory_space<vmem>>) offsets(%dma_start3A_24 : memref<56xi32, #tpu.memory_space<vmem>>) semaphore(%arg11 : memref<!tpu.dma_semaphore, #tpu.memory_space<semaphore_mem>>)
    %scan3A = arith.constant 0 : i32
    %scan3A_28 = arith.constant 0 : i32
    %scan3A_29 = arith.constant 45 : i32
    %scan3A_30 = arith.addi %scan3A_28, %scan3A_29 : i32
    %scan3A_31 = arith.constant 1 : i32
    scf.for %scan3A_85 = %scan3A_28 to %scan3A_30 step %scan3A_31  : i32 {
      %mul3A_86 = arith.constant 4 : i32
      %mul3A_87 = arith.muli %mul3A_86, %scan3A_85 : i32
      %add3A_88 = arith.constant 0 : i32
      %add3A_89 = arith.addi %mul3A_87, %add3A_88 : i32
      %add3A_90 = arith.constant 2 : i32
      %add3A_91 = arith.addi %add3A_89, %add3A_90 : i32
      %lt3A = arith.constant 180 : i32
      %lt3A_92 = arith.cmpi slt, %add3A_91, %lt3A : i32
      %convert_element_type3A = arith.extui %lt3A_92 : i1 to i32
      %cond3A = arith.constant 0 : i32
      %cond3A_93 = arith.cmpi ne, %convert_element_type3A, %cond3A : i32
      scf.if %cond3A_93 {
        %ge3A = arith.constant 2 : i32
        %ge3A_215 = arith.cmpi sge, %add3A_89, %ge3A : i32
        %convert_element_type3A_216 = arith.extui %ge3A_215 : i1 to i32
        %cond3A_217 = arith.constant 0 : i32
        %cond3A_218 = arith.cmpi ne, %convert_element_type3A_216, %cond3A_217 : i32
        scf.if %cond3A_218 {
          %sub3A = arith.constant 2 : i32
          %sub3A_232 = arith.subi %add3A_89, %sub3A : i32
          %dma_wait3A_233 = arith.constant 2 : i32
          %dma_wait3A_234 = arith.constant 0 : i32
          %dma_wait3A_235 = arith.constant 0 : i32
          %dma_wait3A_236 = tpu.memref_slice %arg9[%dma_wait3A_233, %dma_wait3A_234, %dma_wait3A_235] : memref<4x56x128xf32, #tpu.memory_space<vmem>> -> memref<1x56x128xf32, #tpu.memory_space<vmem>>
          %dma_wait3A_237 = tpu.memref_squeeze %dma_wait3A_236 : memref<1x56x128xf32, #tpu.memory_space<vmem>> -> memref<56x128xf32, #tpu.memory_space<vmem>>
          %dma_wait3A_238 = arith.constant 0 : i32
          %dma_wait3A_239 = tpu.memref_slice %arg8[%sub3A_232, %dma_wait3A_238] : memref<180x56xi32, #tpu.memory_space<vmem>> -> memref<1x56xi32, #tpu.memory_space<vmem>>
          %dma_wait3A_240 = tpu.memref_squeeze %dma_wait3A_239 : memref<1x56xi32, #tpu.memory_space<vmem>> -> memref<56xi32, #tpu.memory_space<vmem>>
          %dma_wait3A_241 = arith.constant 0 : i32
          %dma_wait3A_242 = arith.constant 0 : i32
          %dma_wait3A_243 = tpu.memref_slice %arg18[%dma_wait3A_241, %dma_wait3A_242] : memref<10112x128xf32, #tpu.memory_space<vmem_shared>> -> memref<10112x128xf32, #tpu.memory_space<vmem_shared>>
          tpu.wait_indirect_dma semaphore(%arg16 : memref<!tpu.dma_semaphore, #tpu.memory_space<semaphore_mem>>) src(%dma_wait3A_237 : memref<56x128xf32, #tpu.memory_space<vmem>>) dst(%dma_wait3A_243 : memref<10112x128xf32, #tpu.memory_space<vmem_shared>>)
        } else {
        }
        %add3A_219 = arith.constant 2 : i32
        %add3A_220 = arith.addi %add3A_89, %add3A_219 : i32
        %dma_start3A_221 = arith.constant 2 : i32
        %dma_start3A_222 = arith.constant 0 : i32
        %dma_start3A_223 = arith.constant 0 : i32
        %dma_start3A_224 = tpu.memref_slice %arg9[%dma_start3A_221, %dma_start3A_222, %dma_start3A_223] : memref<4x56x128xf32, #tpu.memory_space<vmem>> -> memref<1x56x128xf32, #tpu.memory_space<vmem>>
        %dma_start3A_225 = tpu.memref_squeeze %dma_start3A_224 : memref<1x56x128xf32, #tpu.memory_space<vmem>> -> memref<56x128xf32, #tpu.memory_space<vmem>>
        %dma_start3A_226 = arith.constant 0 : i32
        %dma_start3A_227 = tpu.memref_slice %arg7[%add3A_220, %dma_start3A_226] : memref<180x56xi32, #tpu.memory_space<vmem>> -> memref<1x56xi32, #tpu.memory_space<vmem>>
        %dma_start3A_228 = tpu.memref_squeeze %dma_start3A_227 : memref<1x56xi32, #tpu.memory_space<vmem>> -> memref<56xi32, #tpu.memory_space<vmem>>
        %dma_start3A_229 = arith.constant 0 : i32
        %dma_start3A_230 = arith.constant 0 : i32
        %dma_start3A_231 = tpu.memref_slice %arg2[%dma_start3A_229, %dma_start3A_230] : memref<10000x128xf32, #tpu.memory_space<hbm>> -> memref<10000x128xf32, #tpu.memory_space<hbm>>
        tpu.enqueue_indirect_dma source(%dma_start3A_231 : memref<10000x128xf32, #tpu.memory_space<hbm>>) target(%dma_start3A_225 : memref<56x128xf32, #tpu.memory_space<vmem>>) offsets(%dma_start3A_228 : memref<56xi32, #tpu.memory_space<vmem>>) semaphore(%arg12 : memref<!tpu.dma_semaphore, #tpu.memory_space<semaphore_mem>>)
      } else {
      }
      %dma_wait3A_94 = arith.constant 0 : i32
      %dma_wait3A_95 = arith.constant 0 : i32
      %dma_wait3A_96 = arith.constant 0 : i32
      %dma_wait3A_97 = tpu.memref_slice %arg9[%dma_wait3A_94, %dma_wait3A_95, %dma_wait3A_96] : memref<4x56x128xf32, #tpu.memory_space<vmem>> -> memref<1x56x128xf32, #tpu.memory_space<vmem>>
      %dma_wait3A_98 = tpu.memref_squeeze %dma_wait3A_97 : memref<1x56x128xf32, #tpu.memory_space<vmem>> -> memref<56x128xf32, #tpu.memory_space<vmem>>
      %dma_wait3A_99 = arith.constant 0 : i32
      %dma_wait3A_100 = tpu.memref_slice %arg7[%add3A_89, %dma_wait3A_99] : memref<180x56xi32, #tpu.memory_space<vmem>> -> memref<1x56xi32, #tpu.memory_space<vmem>>
      %dma_wait3A_101 = tpu.memref_squeeze %dma_wait3A_100 : memref<1x56xi32, #tpu.memory_space<vmem>> -> memref<56xi32, #tpu.memory_space<vmem>>
      %dma_wait3A_102 = arith.constant 0 : i32
      %dma_wait3A_103 = arith.constant 0 : i32
      %dma_wait3A_104 = tpu.memref_slice %arg2[%dma_wait3A_102, %dma_wait3A_103] : memref<10000x128xf32, #tpu.memory_space<hbm>> -> memref<10000x128xf32, #tpu.memory_space<hbm>>
      tpu.wait_indirect_dma semaphore(%arg10 : memref<!tpu.dma_semaphore, #tpu.memory_space<semaphore_mem>>) src(%dma_wait3A_104 : memref<10000x128xf32, #tpu.memory_space<hbm>>) dst(%dma_wait3A_98 : memref<56x128xf32, #tpu.memory_space<vmem>>)
      %dma_start3A_105 = arith.constant 0 : i32
      %dma_start3A_106 = arith.constant 0 : i32
      %dma_start3A_107 = arith.constant 0 : i32
      %dma_start3A_108 = tpu.memref_slice %arg9[%dma_start3A_105, %dma_start3A_106, %dma_start3A_107] : memref<4x56x128xf32, #tpu.memory_space<vmem>> -> memref<1x56x128xf32, #tpu.memory_space<vmem>>
      %dma_start3A_109 = tpu.memref_squeeze %dma_start3A_108 : memref<1x56x128xf32, #tpu.memory_space<vmem>> -> memref<56x128xf32, #tpu.memory_space<vmem>>
      %dma_start3A_110 = arith.constant 0 : i32
      %dma_start3A_111 = tpu.memref_slice %arg8[%add3A_89, %dma_start3A_110] : memref<180x56xi32, #tpu.memory_space<vmem>> -> memref<1x56xi32, #tpu.memory_space<vmem>>
      %dma_start3A_112 = tpu.memref_squeeze %dma_start3A_111 : memref<1x56xi32, #tpu.memory_space<vmem>> -> memref<56xi32, #tpu.memory_space<vmem>>
      %dma_start3A_113 = arith.constant 0 : i32
      %dma_start3A_114 = arith.constant 0 : i32
      %dma_start3A_115 = tpu.memref_slice %arg18[%dma_start3A_113, %dma_start3A_114] : memref<10112x128xf32, #tpu.memory_space<vmem_shared>> -> memref<10112x128xf32, #tpu.memory_space<vmem_shared>>
      tpu.enqueue_indirect_dma source(%dma_start3A_109 : memref<56x128xf32, #tpu.memory_space<vmem>>) target(%dma_start3A_115 : memref<10112x128xf32, #tpu.memory_space<vmem_shared>>) offsets(%dma_start3A_112 : memref<56xi32, #tpu.memory_space<vmem>>) semaphore(%arg14 : memref<!tpu.dma_semaphore, #tpu.memory_space<semaphore_mem>>) {add = true}
      %mul3A_116 = arith.constant 4 : i32
      %mul3A_117 = arith.muli %mul3A_116, %scan3A_85 : i32
      %add3A_118 = arith.constant 1 : i32
      %add3A_119 = arith.addi %mul3A_117, %add3A_118 : i32
      %add3A_120 = arith.constant 2 : i32
      %add3A_121 = arith.addi %add3A_119, %add3A_120 : i32
      %lt3A_122 = arith.constant 180 : i32
      %lt3A_123 = arith.cmpi slt, %add3A_121, %lt3A_122 : i32
      %convert_element_type3A_124 = arith.extui %lt3A_123 : i1 to i32
      %cond3A_125 = arith.constant 0 : i32
      %cond3A_126 = arith.cmpi ne, %convert_element_type3A_124, %cond3A_125 : i32
      scf.if %cond3A_126 {
        %ge3A = arith.constant 2 : i32
        %ge3A_215 = arith.cmpi sge, %add3A_119, %ge3A : i32
        %convert_element_type3A_216 = arith.extui %ge3A_215 : i1 to i32
        %cond3A_217 = arith.constant 0 : i32
        %cond3A_218 = arith.cmpi ne, %convert_element_type3A_216, %cond3A_217 : i32
        scf.if %cond3A_218 {
          %sub3A = arith.constant 2 : i32
          %sub3A_232 = arith.subi %add3A_119, %sub3A : i32
          %dma_wait3A_233 = arith.constant 3 : i32
          %dma_wait3A_234 = arith.constant 0 : i32
          %dma_wait3A_235 = arith.constant 0 : i32
          %dma_wait3A_236 = tpu.memref_slice %arg9[%dma_wait3A_233, %dma_wait3A_234, %dma_wait3A_235] : memref<4x56x128xf32, #tpu.memory_space<vmem>> -> memref<1x56x128xf32, #tpu.memory_space<vmem>>
          %dma_wait3A_237 = tpu.memref_squeeze %dma_wait3A_236 : memref<1x56x128xf32, #tpu.memory_space<vmem>> -> memref<56x128xf32, #tpu.memory_space<vmem>>
          %dma_wait3A_238 = arith.constant 0 : i32
          %dma_wait3A_239 = tpu.memref_slice %arg8[%sub3A_232, %dma_wait3A_238] : memref<180x56xi32, #tpu.memory_space<vmem>> -> memref<1x56xi32, #tpu.memory_space<vmem>>
          %dma_wait3A_240 = tpu.memref_squeeze %dma_wait3A_239 : memref<1x56xi32, #tpu.memory_space<vmem>> -> memref<56xi32, #tpu.memory_space<vmem>>
          %dma_wait3A_241 = arith.constant 0 : i32
          %dma_wait3A_242 = arith.constant 0 : i32
          %dma_wait3A_243 = tpu.memref_slice %arg18[%dma_wait3A_241, %dma_wait3A_242] : memref<10112x128xf32, #tpu.memory_space<vmem_shared>> -> memref<10112x128xf32, #tpu.memory_space<vmem_shared>>
          tpu.wait_indirect_dma semaphore(%arg17 : memref<!tpu.dma_semaphore, #tpu.memory_space<semaphore_mem>>) src(%dma_wait3A_237 : memref<56x128xf32, #tpu.memory_space<vmem>>) dst(%dma_wait3A_243 : memref<10112x128xf32, #tpu.memory_space<vmem_shared>>)
        } else {
        }
        %add3A_219 = arith.constant 2 : i32
        %add3A_220 = arith.addi %add3A_119, %add3A_219 : i32
        %dma_start3A_221 = arith.constant 3 : i32
        %dma_start3A_222 = arith.constant 0 : i32
        %dma_start3A_223 = arith.constant 0 : i32
        %dma_start3A_224 = tpu.memref_slice %arg9[%dma_start3A_221, %dma_start3A_222, %dma_start3A_223] : memref<4x56x128xf32, #tpu.memory_space<vmem>> -> memref<1x56x128xf32, #tpu.memory_space<vmem>>
        %dma_start3A_225 = tpu.memref_squeeze %dma_start3A_224 : memref<1x56x128xf32, #tpu.memory_space<vmem>> -> memref<56x128xf32, #tpu.memory_space<vmem>>
        %dma_start3A_226 = arith.constant 0 : i32
        %dma_start3A_227 = tpu.memref_slice %arg7[%add3A_220, %dma_start3A_226] : memref<180x56xi32, #tpu.memory_space<vmem>> -> memref<1x56xi32, #tpu.memory_space<vmem>>
        %dma_start3A_228 = tpu.memref_squeeze %dma_start3A_227 : memref<1x56xi32, #tpu.memory_space<vmem>> -> memref<56xi32, #tpu.memory_space<vmem>>
        %dma_start3A_229 = arith.constant 0 : i32
        %dma_start3A_230 = arith.constant 0 : i32
        %dma_start3A_231 = tpu.memref_slice %arg2[%dma_start3A_229, %dma_start3A_230] : memref<10000x128xf32, #tpu.memory_space<hbm>> -> memref<10000x128xf32, #tpu.memory_space<hbm>>
        tpu.enqueue_indirect_dma source(%dma_start3A_231 : memref<10000x128xf32, #tpu.memory_space<hbm>>) target(%dma_start3A_225 : memref<56x128xf32, #tpu.memory_space<vmem>>) offsets(%dma_start3A_228 : memref<56xi32, #tpu.memory_space<vmem>>) semaphore(%arg13 : memref<!tpu.dma_semaphore, #tpu.memory_space<semaphore_mem>>)
      } else {
      }
      %dma_wait3A_127 = arith.constant 1 : i32
      %dma_wait3A_128 = arith.constant 0 : i32
      %dma_wait3A_129 = arith.constant 0 : i32
      %dma_wait3A_130 = tpu.memref_slice %arg9[%dma_wait3A_127, %dma_wait3A_128, %dma_wait3A_129] : memref<4x56x128xf32, #tpu.memory_space<vmem>> -> memref<1x56x128xf32, #tpu.memory_space<vmem>>
      %dma_wait3A_131 = tpu.memref_squeeze %dma_wait3A_130 : memref<1x56x128xf32, #tpu.memory_space<vmem>> -> memref<56x128xf32, #tpu.memory_space<vmem>>
      %dma_wait3A_132 = arith.constant 0 : i32
      %dma_wait3A_133 = tpu.memref_slice %arg7[%add3A_119, %dma_wait3A_132] : memref<180x56xi32, #tpu.memory_space<vmem>> -> memref<1x56xi32, #tpu.memory_space<vmem>>
      %dma_wait3A_134 = tpu.memref_squeeze %dma_wait3A_133 : memref<1x56xi32, #tpu.memory_space<vmem>> -> memref<56xi32, #tpu.memory_space<vmem>>
      %dma_wait3A_135 = arith.constant 0 : i32
      %dma_wait3A_136 = arith.constant 0 : i32
      %dma_wait3A_137 = tpu.memref_slice %arg2[%dma_wait3A_135, %dma_wait3A_136] : memref<10000x128xf32, #tpu.memory_space<hbm>> -> memref<10000x128xf32, #tpu.memory_space<hbm>>
      tpu.wait_indirect_dma semaphore(%arg11 : memref<!tpu.dma_semaphore, #tpu.memory_space<semaphore_mem>>) src(%dma_wait3A_137 : memref<10000x128xf32, #tpu.memory_space<hbm>>) dst(%dma_wait3A_131 : memref<56x128xf32, #tpu.memory_space<vmem>>)
      %dma_start3A_138 = arith.constant 1 : i32
      %dma_start3A_139 = arith.constant 0 : i32
      %dma_start3A_140 = arith.constant 0 : i32
      %dma_start3A_141 = tpu.memref_slice %arg9[%dma_start3A_138, %dma_start3A_139, %dma_start3A_140] : memref<4x56x128xf32, #tpu.memory_space<vmem>> -> memref<1x56x128xf32, #tpu.memory_space<vmem>>
      %dma_start3A_142 = tpu.memref_squeeze %dma_start3A_141 : memref<1x56x128xf32, #tpu.memory_space<vmem>> -> memref<56x128xf32, #tpu.memory_space<vmem>>
      %dma_start3A_143 = arith.constant 0 : i32
      %dma_start3A_144 = tpu.memref_slice %arg8[%add3A_119, %dma_start3A_143] : memref<180x56xi32, #tpu.memory_space<vmem>> -> memref<1x56xi32, #tpu.memory_space<vmem>>
      %dma_start3A_145 = tpu.memref_squeeze %dma_start3A_144 : memref<1x56xi32, #tpu.memory_space<vmem>> -> memref<56xi32, #tpu.memory_space<vmem>>
      %dma_start3A_146 = arith.constant 0 : i32
      %dma_start3A_147 = arith.constant 0 : i32
      %dma_start3A_148 = tpu.memref_slice %arg18[%dma_start3A_146, %dma_start3A_147] : memref<10112x128xf32, #tpu.memory_space<vmem_shared>> -> memref<10112x128xf32, #tpu.memory_space<vmem_shared>>
      tpu.enqueue_indirect_dma source(%dma_start3A_142 : memref<56x128xf32, #tpu.memory_space<vmem>>) target(%dma_start3A_148 : memref<10112x128xf32, #tpu.memory_space<vmem_shared>>) offsets(%dma_start3A_145 : memref<56xi32, #tpu.memory_space<vmem>>) semaphore(%arg15 : memref<!tpu.dma_semaphore, #tpu.memory_space<semaphore_mem>>) {add = true}
      %mul3A_149 = arith.constant 4 : i32
      %mul3A_150 = arith.muli %mul3A_149, %scan3A_85 : i32
      %add3A_151 = arith.constant 2 : i32
      %add3A_152 = arith.addi %mul3A_150, %add3A_151 : i32
      %add3A_153 = arith.constant 2 : i32
      %add3A_154 = arith.addi %add3A_152, %add3A_153 : i32
      %lt3A_155 = arith.constant 180 : i32
      %lt3A_156 = arith.cmpi slt, %add3A_154, %lt3A_155 : i32
      %convert_element_type3A_157 = arith.extui %lt3A_156 : i1 to i32
      %cond3A_158 = arith.constant 0 : i32
      %cond3A_159 = arith.cmpi ne, %convert_element_type3A_157, %cond3A_158 : i32
      scf.if %cond3A_159 {
        %ge3A = arith.constant 2 : i32
        %ge3A_215 = arith.cmpi sge, %add3A_152, %ge3A : i32
        %convert_element_type3A_216 = arith.extui %ge3A_215 : i1 to i32
        %cond3A_217 = arith.constant 0 : i32
        %cond3A_218 = arith.cmpi ne, %convert_element_type3A_216, %cond3A_217 : i32
        scf.if %cond3A_218 {
          %sub3A = arith.constant 2 : i32
          %sub3A_232 = arith.subi %add3A_152, %sub3A : i32
          %dma_wait3A_233 = arith.constant 0 : i32
          %dma_wait3A_234 = arith.constant 0 : i32
          %dma_wait3A_235 = arith.constant 0 : i32
          %dma_wait3A_236 = tpu.memref_slice %arg9[%dma_wait3A_233, %dma_wait3A_234, %dma_wait3A_235] : memref<4x56x128xf32, #tpu.memory_space<vmem>> -> memref<1x56x128xf32, #tpu.memory_space<vmem>>
          %dma_wait3A_237 = tpu.memref_squeeze %dma_wait3A_236 : memref<1x56x128xf32, #tpu.memory_space<vmem>> -> memref<56x128xf32, #tpu.memory_space<vmem>>
          %dma_wait3A_238 = arith.constant 0 : i32
          %dma_wait3A_239 = tpu.memref_slice %arg8[%sub3A_232, %dma_wait3A_238] : memref<180x56xi32, #tpu.memory_space<vmem>> -> memref<1x56xi32, #tpu.memory_space<vmem>>
          %dma_wait3A_240 = tpu.memref_squeeze %dma_wait3A_239 : memref<1x56xi32, #tpu.memory_space<vmem>> -> memref<56xi32, #tpu.memory_space<vmem>>
          %dma_wait3A_241 = arith.constant 0 : i32
          %dma_wait3A_242 = arith.constant 0 : i32
          %dma_wait3A_243 = tpu.memref_slice %arg18[%dma_wait3A_241, %dma_wait3A_242] : memref<10112x128xf32, #tpu.memory_space<vmem_shared>> -> memref<10112x128xf32, #tpu.memory_space<vmem_shared>>
          tpu.wait_indirect_dma semaphore(%arg14 : memref<!tpu.dma_semaphore, #tpu.memory_space<semaphore_mem>>) src(%dma_wait3A_237 : memref<56x128xf32, #tpu.memory_space<vmem>>) dst(%dma_wait3A_243 : memref<10112x128xf32, #tpu.memory_space<vmem_shared>>)
        } else {
        }
        %add3A_219 = arith.constant 2 : i32
        %add3A_220 = arith.addi %add3A_152, %add3A_219 : i32
        %dma_start3A_221 = arith.constant 0 : i32
        %dma_start3A_222 = arith.constant 0 : i32
        %dma_start3A_223 = arith.constant 0 : i32
        %dma_start3A_224 = tpu.memref_slice %arg9[%dma_start3A_221, %dma_start3A_222, %dma_start3A_223] : memref<4x56x128xf32, #tpu.memory_space<vmem>> -> memref<1x56x128xf32, #tpu.memory_space<vmem>>
        %dma_start3A_225 = tpu.memref_squeeze %dma_start3A_224 : memref<1x56x128xf32, #tpu.memory_space<vmem>> -> memref<56x128xf32, #tpu.memory_space<vmem>>
        %dma_start3A_226 = arith.constant 0 : i32
        %dma_start3A_227 = tpu.memref_slice %arg7[%add3A_220, %dma_start3A_226] : memref<180x56xi32, #tpu.memory_space<vmem>> -> memref<1x56xi32, #tpu.memory_space<vmem>>
        %dma_start3A_228 = tpu.memref_squeeze %dma_start3A_227 : memref<1x56xi32, #tpu.memory_space<vmem>> -> memref<56xi32, #tpu.memory_space<vmem>>
        %dma_start3A_229 = arith.constant 0 : i32
        %dma_start3A_230 = arith.constant 0 : i32
        %dma_start3A_231 = tpu.memref_slice %arg2[%dma_start3A_229, %dma_start3A_230] : memref<10000x128xf32, #tpu.memory_space<hbm>> -> memref<10000x128xf32, #tpu.memory_space<hbm>>
        tpu.enqueue_indirect_dma source(%dma_start3A_231 : memref<10000x128xf32, #tpu.memory_space<hbm>>) target(%dma_start3A_225 : memref<56x128xf32, #tpu.memory_space<vmem>>) offsets(%dma_start3A_228 : memref<56xi32, #tpu.memory_space<vmem>>) semaphore(%arg10 : memref<!tpu.dma_semaphore, #tpu.memory_space<semaphore_mem>>)
      } else {
      }
      %dma_wait3A_160 = arith.constant 2 : i32
      %dma_wait3A_161 = arith.constant 0 : i32
      %dma_wait3A_162 = arith.constant 0 : i32
      %dma_wait3A_163 = tpu.memref_slice %arg9[%dma_wait3A_160, %dma_wait3A_161, %dma_wait3A_162] : memref<4x56x128xf32, #tpu.memory_space<vmem>> -> memref<1x56x128xf32, #tpu.memory_space<vmem>>
      %dma_wait3A_164 = tpu.memref_squeeze %dma_wait3A_163 : memref<1x56x128xf32, #tpu.memory_space<vmem>> -> memref<56x128xf32, #tpu.memory_space<vmem>>
      %dma_wait3A_165 = arith.constant 0 : i32
      %dma_wait3A_166 = tpu.memref_slice %arg7[%add3A_152, %dma_wait3A_165] : memref<180x56xi32, #tpu.memory_space<vmem>> -> memref<1x56xi32, #tpu.memory_space<vmem>>
      %dma_wait3A_167 = tpu.memref_squeeze %dma_wait3A_166 : memref<1x56xi32, #tpu.memory_space<vmem>> -> memref<56xi32, #tpu.memory_space<vmem>>
      %dma_wait3A_168 = arith.constant 0 : i32
      %dma_wait3A_169 = arith.constant 0 : i32
      %dma_wait3A_170 = tpu.memref_slice %arg2[%dma_wait3A_168, %dma_wait3A_169] : memref<10000x128xf32, #tpu.memory_space<hbm>> -> memref<10000x128xf32, #tpu.memory_space<hbm>>
      tpu.wait_indirect_dma semaphore(%arg12 : memref<!tpu.dma_semaphore, #tpu.memory_space<semaphore_mem>>) src(%dma_wait3A_170 : memref<10000x128xf32, #tpu.memory_space<hbm>>) dst(%dma_wait3A_164 : memref<56x128xf32, #tpu.memory_space<vmem>>)
      %dma_start3A_171 = arith.constant 2 : i32
      %dma_start3A_172 = arith.constant 0 : i32
      %dma_start3A_173 = arith.constant 0 : i32
      %dma_start3A_174 = tpu.memref_slice %arg9[%dma_start3A_171, %dma_start3A_172, %dma_start3A_173] : memref<4x56x128xf32, #tpu.memory_space<vmem>> -> memref<1x56x128xf32, #tpu.memory_space<vmem>>
      %dma_start3A_175 = tpu.memref_squeeze %dma_start3A_174 : memref<1x56x128xf32, #tpu.memory_space<vmem>> -> memref<56x128xf32, #tpu.memory_space<vmem>>
      %dma_start3A_176 = arith.constant 0 : i32
      %dma_start3A_177 = tpu.memref_slice %arg8[%add3A_152, %dma_start3A_176] : memref<180x56xi32, #tpu.memory_space<vmem>> -> memref<1x56xi32, #tpu.memory_space<vmem>>
      %dma_start3A_178 = tpu.memref_squeeze %dma_start3A_177 : memref<1x56xi32, #tpu.memory_space<vmem>> -> memref<56xi32, #tpu.memory_space<vmem>>
      %dma_start3A_179 = arith.constant 0 : i32
      %dma_start3A_180 = arith.constant 0 : i32
      %dma_start3A_181 = tpu.memref_slice %arg18[%dma_start3A_179, %dma_start3A_180] : memref<10112x128xf32, #tpu.memory_space<vmem_shared>> -> memref<10112x128xf32, #tpu.memory_space<vmem_shared>>
      tpu.enqueue_indirect_dma source(%dma_start3A_175 : memref<56x128xf32, #tpu.memory_space<vmem>>) target(%dma_start3A_181 : memref<10112x128xf32, #tpu.memory_space<vmem_shared>>) offsets(%dma_start3A_178 : memref<56xi32, #tpu.memory_space<vmem>>) semaphore(%arg16 : memref<!tpu.dma_semaphore, #tpu.memory_space<semaphore_mem>>) {add = true}
      %mul3A_182 = arith.constant 4 : i32
      %mul3A_183 = arith.muli %mul3A_182, %scan3A_85 : i32
      %add3A_184 = arith.constant 3 : i32
      %add3A_185 = arith.addi %mul3A_183, %add3A_184 : i32
      %add3A_186 = arith.constant 2 : i32
      %add3A_187 = arith.addi %add3A_185, %add3A_186 : i32
      %lt3A_188 = arith.constant 180 : i32
      %lt3A_189 = arith.cmpi slt, %add3A_187, %lt3A_188 : i32
      %convert_element_type3A_190 = arith.extui %lt3A_189 : i1 to i32
      %cond3A_191 = arith.constant 0 : i32
      %cond3A_192 = arith.cmpi ne, %convert_element_type3A_190, %cond3A_191 : i32
      scf.if %cond3A_192 {
        %ge3A = arith.constant 2 : i32
        %ge3A_215 = arith.cmpi sge, %add3A_185, %ge3A : i32
        %convert_element_type3A_216 = arith.extui %ge3A_215 : i1 to i32
        %cond3A_217 = arith.constant 0 : i32
        %cond3A_218 = arith.cmpi ne, %convert_element_type3A_216, %cond3A_217 : i32
        scf.if %cond3A_218 {
          %sub3A = arith.constant 2 : i32
          %sub3A_232 = arith.subi %add3A_185, %sub3A : i32
          %dma_wait3A_233 = arith.constant 1 : i32
          %dma_wait3A_234 = arith.constant 0 : i32
          %dma_wait3A_235 = arith.constant 0 : i32
          %dma_wait3A_236 = tpu.memref_slice %arg9[%dma_wait3A_233, %dma_wait3A_234, %dma_wait3A_235] : memref<4x56x128xf32, #tpu.memory_space<vmem>> -> memref<1x56x128xf32, #tpu.memory_space<vmem>>
          %dma_wait3A_237 = tpu.memref_squeeze %dma_wait3A_236 : memref<1x56x128xf32, #tpu.memory_space<vmem>> -> memref<56x128xf32, #tpu.memory_space<vmem>>
          %dma_wait3A_238 = arith.constant 0 : i32
          %dma_wait3A_239 = tpu.memref_slice %arg8[%sub3A_232, %dma_wait3A_238] : memref<180x56xi32, #tpu.memory_space<vmem>> -> memref<1x56xi32, #tpu.memory_space<vmem>>
          %dma_wait3A_240 = tpu.memref_squeeze %dma_wait3A_239 : memref<1x56xi32, #tpu.memory_space<vmem>> -> memref<56xi32, #tpu.memory_space<vmem>>
          %dma_wait3A_241 = arith.constant 0 : i32
          %dma_wait3A_242 = arith.constant 0 : i32
          %dma_wait3A_243 = tpu.memref_slice %arg18[%dma_wait3A_241, %dma_wait3A_242] : memref<10112x128xf32, #tpu.memory_space<vmem_shared>> -> memref<10112x128xf32, #tpu.memory_space<vmem_shared>>
          tpu.wait_indirect_dma semaphore(%arg15 : memref<!tpu.dma_semaphore, #tpu.memory_space<semaphore_mem>>) src(%dma_wait3A_237 : memref<56x128xf32, #tpu.memory_space<vmem>>) dst(%dma_wait3A_243 : memref<10112x128xf32, #tpu.memory_space<vmem_shared>>)
        } else {
        }
        %add3A_219 = arith.constant 2 : i32
        %add3A_220 = arith.addi %add3A_185, %add3A_219 : i32
        %dma_start3A_221 = arith.constant 1 : i32
        %dma_start3A_222 = arith.constant 0 : i32
        %dma_start3A_223 = arith.constant 0 : i32
        %dma_start3A_224 = tpu.memref_slice %arg9[%dma_start3A_221, %dma_start3A_222, %dma_start3A_223] : memref<4x56x128xf32, #tpu.memory_space<vmem>> -> memref<1x56x128xf32, #tpu.memory_space<vmem>>
        %dma_start3A_225 = tpu.memref_squeeze %dma_start3A_224 : memref<1x56x128xf32, #tpu.memory_space<vmem>> -> memref<56x128xf32, #tpu.memory_space<vmem>>
        %dma_start3A_226 = arith.constant 0 : i32
        %dma_start3A_227 = tpu.memref_slice %arg7[%add3A_220, %dma_start3A_226] : memref<180x56xi32, #tpu.memory_space<vmem>> -> memref<1x56xi32, #tpu.memory_space<vmem>>
        %dma_start3A_228 = tpu.memref_squeeze %dma_start3A_227 : memref<1x56xi32, #tpu.memory_space<vmem>> -> memref<56xi32, #tpu.memory_space<vmem>>
        %dma_start3A_229 = arith.constant 0 : i32
        %dma_start3A_230 = arith.constant 0 : i32
        %dma_start3A_231 = tpu.memref_slice %arg2[%dma_start3A_229, %dma_start3A_230] : memref<10000x128xf32, #tpu.memory_space<hbm>> -> memref<10000x128xf32, #tpu.memory_space<hbm>>
        tpu.enqueue_indirect_dma source(%dma_start3A_231 : memref<10000x128xf32, #tpu.memory_space<hbm>>) target(%dma_start3A_225 : memref<56x128xf32, #tpu.memory_space<vmem>>) offsets(%dma_start3A_228 : memref<56xi32, #tpu.memory_space<vmem>>) semaphore(%arg11 : memref<!tpu.dma_semaphore, #tpu.memory_space<semaphore_mem>>)
      } else {
      }
      %dma_wait3A_193 = arith.constant 3 : i32
      %dma_wait3A_194 = arith.constant 0 : i32
      %dma_wait3A_195 = arith.constant 0 : i32
      %dma_wait3A_196 = tpu.memref_slice %arg9[%dma_wait3A_193, %dma_wait3A_194, %dma_wait3A_195] : memref<4x56x128xf32, #tpu.memory_space<vmem>> -> memref<1x56x128xf32, #tpu.memory_space<vmem>>
      %dma_wait3A_197 = tpu.memref_squeeze %dma_wait3A_196 : memref<1x56x128xf32, #tpu.memory_space<vmem>> -> memref<56x128xf32, #tpu.memory_space<vmem>>
      %dma_wait3A_198 = arith.constant 0 : i32
      %dma_wait3A_199 = tpu.memref_slice %arg7[%add3A_185, %dma_wait3A_198] : memref<180x56xi32, #tpu.memory_space<vmem>> -> memref<1x56xi32, #tpu.memory_space<vmem>>
      %dma_wait3A_200 = tpu.memref_squeeze %dma_wait3A_199 : memref<1x56xi32, #tpu.memory_space<vmem>> -> memref<56xi32, #tpu.memory_space<vmem>>
      %dma_wait3A_201 = arith.constant 0 : i32
      %dma_wait3A_202 = arith.constant 0 : i32
      %dma_wait3A_203 = tpu.memref_slice %arg2[%dma_wait3A_201, %dma_wait3A_202] : memref<10000x128xf32, #tpu.memory_space<hbm>> -> memref<10000x128xf32, #tpu.memory_space<hbm>>
      tpu.wait_indirect_dma semaphore(%arg13 : memref<!tpu.dma_semaphore, #tpu.memory_space<semaphore_mem>>) src(%dma_wait3A_203 : memref<10000x128xf32, #tpu.memory_space<hbm>>) dst(%dma_wait3A_197 : memref<56x128xf32, #tpu.memory_space<vmem>>)
      %dma_start3A_204 = arith.constant 3 : i32
      %dma_start3A_205 = arith.constant 0 : i32
      %dma_start3A_206 = arith.constant 0 : i32
      %dma_start3A_207 = tpu.memref_slice %arg9[%dma_start3A_204, %dma_start3A_205, %dma_start3A_206] : memref<4x56x128xf32, #tpu.memory_space<vmem>> -> memref<1x56x128xf32, #tpu.memory_space<vmem>>
      %dma_start3A_208 = tpu.memref_squeeze %dma_start3A_207 : memref<1x56x128xf32, #tpu.memory_space<vmem>> -> memref<56x128xf32, #tpu.memory_space<vmem>>
      %dma_start3A_209 = arith.constant 0 : i32
      %dma_start3A_210 = tpu.memref_slice %arg8[%add3A_185, %dma_start3A_209] : memref<180x56xi32, #tpu.memory_space<vmem>> -> memref<1x56xi32, #tpu.memory_space<vmem>>
      %dma_start3A_211 = tpu.memref_squeeze %dma_start3A_210 : memref<1x56xi32, #tpu.memory_space<vmem>> -> memref<56xi32, #tpu.memory_space<vmem>>
      %dma_start3A_212 = arith.constant 0 : i32
      %dma_start3A_213 = arith.constant 0 : i32
      %dma_start3A_214 = tpu.memref_slice %arg18[%dma_start3A_212, %dma_start3A_213] : memref<10112x128xf32, #tpu.memory_space<vmem_shared>> -> memref<10112x128xf32, #tpu.memory_space<vmem_shared>>
      tpu.enqueue_indirect_dma source(%dma_start3A_208 : memref<56x128xf32, #tpu.memory_space<vmem>>) target(%dma_start3A_214 : memref<10112x128xf32, #tpu.memory_space<vmem_shared>>) offsets(%dma_start3A_211 : memref<56xi32, #tpu.memory_space<vmem>>) semaphore(%arg17 : memref<!tpu.dma_semaphore, #tpu.memory_space<semaphore_mem>>) {add = true}
    }
    %scan3A_32 = arith.constant 45 : i32
    %dma_wait3A = arith.constant 0 : i32
    %dma_wait3A_33 = arith.constant 176 : i32
    %dma_wait3A_34 = arith.constant 0 : i32
    %dma_wait3A_35 = arith.constant 0 : i32
    %dma_wait3A_36 = tpu.memref_slice %arg9[%dma_wait3A, %dma_wait3A_34, %dma_wait3A_35] : memref<4x56x128xf32, #tpu.memory_space<vmem>> -> memref<1x56x128xf32, #tpu.memory_space<vmem>>
    %dma_wait3A_37 = tpu.memref_squeeze %dma_wait3A_36 : memref<1x56x128xf32, #tpu.memory_space<vmem>> -> memref<56x128xf32, #tpu.memory_space<vmem>>
    %dma_wait3A_38 = arith.constant 0 : i32
    %dma_wait3A_39 = tpu.memref_slice %arg8[%dma_wait3A_33, %dma_wait3A_38] : memref<180x56xi32, #tpu.memory_space<vmem>> -> memref<1x56xi32, #tpu.memory_space<vmem>>
    %dma_wait3A_40 = tpu.memref_squeeze %dma_wait3A_39 : memref<1x56xi32, #tpu.memory_space<vmem>> -> memref<56xi32, #tpu.memory_space<vmem>>
    %dma_wait3A_41 = arith.constant 0 : i32
    %dma_wait3A_42 = arith.constant 0 : i32
    %dma_wait3A_43 = tpu.memref_slice %arg18[%dma_wait3A_41, %dma_wait3A_42] : memref<10112x128xf32, #tpu.memory_space<vmem_shared>> -> memref<10112x128xf32, #tpu.memory_space<vmem_shared>>
    tpu.wait_indirect_dma semaphore(%arg14 : memref<!tpu.dma_semaphore, #tpu.memory_space<semaphore_mem>>) src(%dma_wait3A_37 : memref<56x128xf32, #tpu.memory_space<vmem>>) dst(%dma_wait3A_43 : memref<10112x128xf32, #tpu.memory_space<vmem_shared>>)
    %dma_wait3A_44 = arith.constant 1 : i32
    %dma_wait3A_45 = arith.constant 177 : i32
    %dma_wait3A_46 = arith.constant 0 : i32
    %dma_wait3A_47 = arith.constant 0 : i32
    %dma_wait3A_48 = tpu.memref_slice %arg9[%dma_wait3A_44, %dma_wait3A_46, %dma_wait3A_47] : memref<4x56x128xf32, #tpu.memory_space<vmem>> -> memref<1x56x128xf32, #tpu.memory_space<vmem>>
    %dma_wait3A_49 = tpu.memref_squeeze %dma_wait3A_48 : memref<1x56x128xf32, #tpu.memory_space<vmem>> -> memref<56x128xf32, #tpu.memory_space<vmem>>
    %dma_wait3A_50 = arith.constant 0 : i32
    %dma_wait3A_51 = tpu.memref_slice %arg8[%dma_wait3A_45, %dma_wait3A_50] : memref<180x56xi32, #tpu.memory_space<vmem>> -> memref<1x56xi32, #tpu.memory_space<vmem>>
    %dma_wait3A_52 = tpu.memref_squeeze %dma_wait3A_51 : memref<1x56xi32, #tpu.memory_space<vmem>> -> memref<56xi32, #tpu.memory_space<vmem>>
    %dma_wait3A_53 = arith.constant 0 : i32
    %dma_wait3A_54 = arith.constant 0 : i32
    %dma_wait3A_55 = tpu.memref_slice %arg18[%dma_wait3A_53, %dma_wait3A_54] : memref<10112x128xf32, #tpu.memory_space<vmem_shared>> -> memref<10112x128xf32, #tpu.memory_space<vmem_shared>>
    tpu.wait_indirect_dma semaphore(%arg15 : memref<!tpu.dma_semaphore, #tpu.memory_space<semaphore_mem>>) src(%dma_wait3A_49 : memref<56x128xf32, #tpu.memory_space<vmem>>) dst(%dma_wait3A_55 : memref<10112x128xf32, #tpu.memory_space<vmem_shared>>)
    %dma_wait3A_56 = arith.constant 2 : i32
    %dma_wait3A_57 = arith.constant 178 : i32
    %dma_wait3A_58 = arith.constant 0 : i32
    %dma_wait3A_59 = arith.constant 0 : i32
    %dma_wait3A_60 = tpu.memref_slice %arg9[%dma_wait3A_56, %dma_wait3A_58, %dma_wait3A_59] : memref<4x56x128xf32, #tpu.memory_space<vmem>> -> memref<1x56x128xf32, #tpu.memory_space<vmem>>
    %dma_wait3A_61 = tpu.memref_squeeze %dma_wait3A_60 : memref<1x56x128xf32, #tpu.memory_space<vmem>> -> memref<56x128xf32, #tpu.memory_space<vmem>>
    %dma_wait3A_62 = arith.constant 0 : i32
    %dma_wait3A_63 = tpu.memref_slice %arg8[%dma_wait3A_57, %dma_wait3A_62] : memref<180x56xi32, #tpu.memory_space<vmem>> -> memref<1x56xi32, #tpu.memory_space<vmem>>
    %dma_wait3A_64 = tpu.memref_squeeze %dma_wait3A_63 : memref<1x56xi32, #tpu.memory_space<vmem>> -> memref<56xi32, #tpu.memory_space<vmem>>
    %dma_wait3A_65 = arith.constant 0 : i32
    %dma_wait3A_66 = arith.constant 0 : i32
    %dma_wait3A_67 = tpu.memref_slice %arg18[%dma_wait3A_65, %dma_wait3A_66] : memref<10112x128xf32, #tpu.memory_space<vmem_shared>> -> memref<10112x128xf32, #tpu.memory_space<vmem_shared>>
    tpu.wait_indirect_dma semaphore(%arg16 : memref<!tpu.dma_semaphore, #tpu.memory_space<semaphore_mem>>) src(%dma_wait3A_61 : memref<56x128xf32, #tpu.memory_space<vmem>>) dst(%dma_wait3A_67 : memref<10112x128xf32, #tpu.memory_space<vmem_shared>>)
    %dma_wait3A_68 = arith.constant 3 : i32
    %dma_wait3A_69 = arith.constant 179 : i32
    %dma_wait3A_70 = arith.constant 0 : i32
    %dma_wait3A_71 = arith.constant 0 : i32
    %dma_wait3A_72 = tpu.memref_slice %arg9[%dma_wait3A_68, %dma_wait3A_70, %dma_wait3A_71] : memref<4x56x128xf32, #tpu.memory_space<vmem>> -> memref<1x56x128xf32, #tpu.memory_space<vmem>>
    %dma_wait3A_73 = tpu.memref_squeeze %dma_wait3A_72 : memref<1x56x128xf32, #tpu.memory_space<vmem>> -> memref<56x128xf32, #tpu.memory_space<vmem>>
    %dma_wait3A_74 = arith.constant 0 : i32
    %dma_wait3A_75 = tpu.memref_slice %arg8[%dma_wait3A_69, %dma_wait3A_74] : memref<180x56xi32, #tpu.memory_space<vmem>> -> memref<1x56xi32, #tpu.memory_space<vmem>>
    %dma_wait3A_76 = tpu.memref_squeeze %dma_wait3A_75 : memref<1x56xi32, #tpu.memory_space<vmem>> -> memref<56xi32, #tpu.memory_space<vmem>>
    %dma_wait3A_77 = arith.constant 0 : i32
    %dma_wait3A_78 = arith.constant 0 : i32
    %dma_wait3A_79 = tpu.memref_slice %arg18[%dma_wait3A_77, %dma_wait3A_78] : memref<10112x128xf32, #tpu.memory_space<vmem_shared>> -> memref<10112x128xf32, #tpu.memory_space<vmem_shared>>
    tpu.wait_indirect_dma semaphore(%arg17 : memref<!tpu.dma_semaphore, #tpu.memory_space<semaphore_mem>>) src(%dma_wait3A_73 : memref<56x128xf32, #tpu.memory_space<vmem>>) dst(%dma_wait3A_79 : memref<10112x128xf32, #tpu.memory_space<vmem_shared>>)
    %barrier3A_80 = arith.constant 0 : index
    tpu.barrier barrier_id(%barrier3A_80)
    %mul3A_81 = arith.constant 632 : i32
    %mul3A_82 = arith.muli %arg1, %mul3A_81 : i32
    %mul3A_83 = arith.constant 632 : i32
    %mul3A_84 = arith.muli %arg1, %mul3A_83 : i32
    "tpu.region"() ({
      %run_scoped3A = tpu.sem_alloc : memref<!tpu.dma_semaphore, #tpu.memory_space<semaphore_mem>>
      %dma_start3A_85 = arith.constant 0 : i32
      %dma_start3A_86 = tpu.memref_slice %arg6[%arg0, %mul3A_84, %dma_start3A_85] : memref<2x10112x128xf32, #tpu.memory_space<hbm>> -> memref<1x632x128xf32, #tpu.memory_space<hbm>>
      %dma_start3A_87 = tpu.memref_squeeze %dma_start3A_86 : memref<1x632x128xf32, #tpu.memory_space<hbm>> -> memref<632x128xf32, #tpu.memory_space<hbm>>
      %dma_start3A_88 = arith.constant 0 : i32
      %dma_start3A_89 = tpu.memref_slice %arg18[%mul3A_82, %dma_start3A_88] : memref<10112x128xf32, #tpu.memory_space<vmem_shared>> -> memref<632x128xf32, #tpu.memory_space<vmem_shared>>
      tpu.enqueue_dma source(%dma_start3A_89 : memref<632x128xf32, #tpu.memory_space<vmem_shared>>) target(%dma_start3A_87 : memref<632x128xf32, #tpu.memory_space<hbm>>) target_semaphore(%run_scoped3A : memref<!tpu.dma_semaphore, #tpu.memory_space<semaphore_mem>>)
      %dma_wait3A_90 = arith.constant 0 : i32
      %dma_wait3A_91 = tpu.memref_slice %arg6[%arg0, %mul3A_84, %dma_wait3A_90] : memref<2x10112x128xf32, #tpu.memory_space<hbm>> -> memref<1x632x128xf32, #tpu.memory_space<hbm>>
      %dma_wait3A_92 = tpu.memref_squeeze %dma_wait3A_91 : memref<1x632x128xf32, #tpu.memory_space<hbm>> -> memref<632x128xf32, #tpu.memory_space<hbm>>
      %dma_wait3A_93 = arith.constant 0 : i32
      %dma_wait3A_94 = tpu.memref_slice %arg18[%mul3A_82, %dma_wait3A_93] : memref<10112x128xf32, #tpu.memory_space<vmem_shared>> -> memref<632x128xf32, #tpu.memory_space<vmem_shared>>
      tpu.wait_dma2 semaphore(%run_scoped3A : memref<!tpu.dma_semaphore, #tpu.memory_space<semaphore_mem>>) src(%dma_wait3A_94 : memref<632x128xf32, #tpu.memory_space<vmem_shared>>) dst(%dma_wait3A_92 : memref<632x128xf32, #tpu.memory_space<hbm>>)
      tpu.yield
    }) : () -> ()
    return
  }
}

#map = affine_map<(d0, d1) -> (0, 0)>
#map1 = affine_map<(d0, d1) -> (0, 0, 0)>
module attributes {stable_mosaic.version = 14 : i64} {
  func.func @body(%arg0: i32, %arg1: i32, %arg2: memref<10000x128xf32, #tpu.memory_space<hbm>>, %arg3: memref<32x180x56xi32, #tpu.memory_space<hbm>>, %arg4: memref<32x180x56xi32, #tpu.memory_space<hbm>>, %arg5: memref<10112x128xf32, #tpu.memory_space<hbm>>, %arg6: memref<2x10112x128xf32, #tpu.memory_space<hbm>>, %arg7: memref<180x56xi32, #tpu.memory_space<vmem>>, %arg8: memref<180x56xi32, #tpu.memory_space<vmem>>, %arg9: memref<4x56x128xf32, #tpu.memory_space<vmem>>, %arg10: memref<!tpu.dma_semaphore, #tpu.memory_space<semaphore_mem>>, %arg11: memref<!tpu.dma_semaphore, #tpu.memory_space<semaphore_mem>>, %arg12: memref<!tpu.dma_semaphore, #tpu.memory_space<semaphore_mem>>, %arg13: memref<!tpu.dma_semaphore, #tpu.memory_space<semaphore_mem>>, %arg14: memref<!tpu.dma_semaphore, #tpu.memory_space<semaphore_mem>>, %arg15: memref<!tpu.dma_semaphore, #tpu.memory_space<semaphore_mem>>, %arg16: memref<!tpu.dma_semaphore, #tpu.memory_space<semaphore_mem>>, %arg17: memref<!tpu.dma_semaphore, #tpu.memory_space<semaphore_mem>>, %arg18: memref<10112x128xf32, #tpu.memory_space<vmem_shared>>) attributes {dimension_semantics = [#tpu.dimension_semantics<core_parallel>, #tpu.dimension_semantics<subcore_parallel>], iteration_bounds = array<i64: 2, 16>, scalar_prefetch = 0 : i64, scratch_operands = 12 : i64, tpu.core_type = #tpu.core_type<sc_vector_subcore>, window_params = [{transform_indices = #map}, {transform_indices = #map1}, {transform_indices = #map1}, {transform_indices = #map}, {transform_indices = #map1}]} {
    %mul3A = arith.constant 2 : i32
    %mul3A_0 = arith.muli %arg1, %mul3A : i32
    %add3A = arith.addi %mul3A_0, %arg0 : i32
    %mul3A_1 = arith.constant 632 : i32
    %mul3A_2 = arith.muli %arg1, %mul3A_1 : i32
    %mul3A_3 = arith.constant 632 : i32
    %mul3A_4 = arith.muli %arg1, %mul3A_3 : i32
    "tpu.region"() ({
      %run_scoped3A = tpu.sem_alloc : memref<!tpu.dma_semaphore, #tpu.memory_space<semaphore_mem>>
      %dma_start3A_85 = arith.constant 0 : i32
      %dma_start3A_86 = tpu.memref_slice %arg18[%mul3A_4, %dma_start3A_85] : memref<10112x128xf32, #tpu.memory_space<vmem_shared>> -> memref<632x128xf32, #tpu.memory_space<vmem_shared>>
      %dma_start3A_87 = arith.constant 0 : i32
      %dma_start3A_88 = tpu.memref_slice %arg5[%mul3A_2, %dma_start3A_87] : memref<10112x128xf32, #tpu.memory_space<hbm>> -> memref<632x128xf32, #tpu.memory_space<hbm>>
      tpu.enqueue_dma source(%dma_start3A_88 : memref<632x128xf32, #tpu.memory_space<hbm>>) target(%dma_start3A_86 : memref<632x128xf32, #tpu.memory_space<vmem_shared>>) target_semaphore(%run_scoped3A : memref<!tpu.dma_semaphore, #tpu.memory_space<semaphore_mem>>)
      %dma_wait3A_89 = arith.constant 0 : i32
      %dma_wait3A_90 = tpu.memref_slice %arg18[%mul3A_4, %dma_wait3A_89] : memref<10112x128xf32, #tpu.memory_space<vmem_shared>> -> memref<632x128xf32, #tpu.memory_space<vmem_shared>>
      %dma_wait3A_91 = arith.constant 0 : i32
      %dma_wait3A_92 = tpu.memref_slice %arg5[%mul3A_2, %dma_wait3A_91] : memref<10112x128xf32, #tpu.memory_space<hbm>> -> memref<632x128xf32, #tpu.memory_space<hbm>>
      tpu.wait_dma2 semaphore(%run_scoped3A : memref<!tpu.dma_semaphore, #tpu.memory_space<semaphore_mem>>) src(%dma_wait3A_92 : memref<632x128xf32, #tpu.memory_space<hbm>>) dst(%dma_wait3A_90 : memref<632x128xf32, #tpu.memory_space<vmem_shared>>)
      tpu.yield
    }) : () -> ()
    "tpu.region"() ({
      %run_scoped3A = tpu.sem_alloc : memref<!tpu.dma_semaphore, #tpu.memory_space<semaphore_mem>>
      %dma_start3A_85 = arith.constant 0 : i32
      %dma_start3A_86 = arith.constant 0 : i32
      %dma_start3A_87 = tpu.memref_slice %arg3[%add3A, %dma_start3A_85, %dma_start3A_86] : memref<32x180x56xi32, #tpu.memory_space<hbm>> -> memref<1x180x56xi32, #tpu.memory_space<hbm>>
      %dma_start3A_88 = tpu.memref_squeeze %dma_start3A_87 : memref<1x180x56xi32, #tpu.memory_space<hbm>> -> memref<180x56xi32, #tpu.memory_space<hbm>>
      %dma_start3A_89 = arith.constant 0 : i32
      %dma_start3A_90 = arith.constant 0 : i32
      %dma_start3A_91 = tpu.memref_slice %arg3[%add3A, %dma_start3A_89, %dma_start3A_90] : memref<32x180x56xi32, #tpu.memory_space<hbm>> -> memref<1x180x56xi32, #tpu.memory_space<hbm>>
      %dma_start3A_92 = tpu.memref_squeeze %dma_start3A_91 : memref<1x180x56xi32, #tpu.memory_space<hbm>> -> memref<180x56xi32, #tpu.memory_space<hbm>>
      tpu.enqueue_dma source(%dma_start3A_92 : memref<180x56xi32, #tpu.memory_space<hbm>>) target(%arg7 : memref<180x56xi32, #tpu.memory_space<vmem>>) target_semaphore(%run_scoped3A : memref<!tpu.dma_semaphore, #tpu.memory_space<semaphore_mem>>)
      %dma_wait3A_93 = arith.constant 0 : i32
      %dma_wait3A_94 = arith.constant 0 : i32
      %dma_wait3A_95 = tpu.memref_slice %arg3[%add3A, %dma_wait3A_93, %dma_wait3A_94] : memref<32x180x56xi32, #tpu.memory_space<hbm>> -> memref<1x180x56xi32, #tpu.memory_space<hbm>>
      %dma_wait3A_96 = tpu.memref_squeeze %dma_wait3A_95 : memref<1x180x56xi32, #tpu.memory_space<hbm>> -> memref<180x56xi32, #tpu.memory_space<hbm>>
      %dma_wait3A_97 = arith.constant 0 : i32
      %dma_wait3A_98 = arith.constant 0 : i32
      %dma_wait3A_99 = tpu.memref_slice %arg3[%add3A, %dma_wait3A_97, %dma_wait3A_98] : memref<32x180x56xi32, #tpu.memory_space<hbm>> -> memref<1x180x56xi32, #tpu.memory_space<hbm>>
      %dma_wait3A_100 = tpu.memref_squeeze %dma_wait3A_99 : memref<1x180x56xi32, #tpu.memory_space<hbm>> -> memref<180x56xi32, #tpu.memory_space<hbm>>
      tpu.wait_dma2 semaphore(%run_scoped3A : memref<!tpu.dma_semaphore, #tpu.memory_space<semaphore_mem>>) src(%dma_wait3A_100 : memref<180x56xi32, #tpu.memory_space<hbm>>) dst(%arg7 : memref<180x56xi32, #tpu.memory_space<vmem>>)
      tpu.yield
    }) : () -> ()
    "tpu.region"() ({
      %run_scoped3A = tpu.sem_alloc : memref<!tpu.dma_semaphore, #tpu.memory_space<semaphore_mem>>
      %dma_start3A_85 = arith.constant 0 : i32
      %dma_start3A_86 = arith.constant 0 : i32
      %dma_start3A_87 = tpu.memref_slice %arg4[%add3A, %dma_start3A_85, %dma_start3A_86] : memref<32x180x56xi32, #tpu.memory_space<hbm>> -> memref<1x180x56xi32, #tpu.memory_space<hbm>>
      %dma_start3A_88 = tpu.memref_squeeze %dma_start3A_87 : memref<1x180x56xi32, #tpu.memory_space<hbm>> -> memref<180x56xi32, #tpu.memory_space<hbm>>
      %dma_start3A_89 = arith.constant 0 : i32
      %dma_start3A_90 = arith.constant 0 : i32
      %dma_start3A_91 = tpu.memref_slice %arg4[%add3A, %dma_start3A_89, %dma_start3A_90] : memref<32x180x56xi32, #tpu.memory_space<hbm>> -> memref<1x180x56xi32, #tpu.memory_space<hbm>>
      %dma_start3A_92 = tpu.memref_squeeze %dma_start3A_91 : memref<1x180x56xi32, #tpu.memory_space<hbm>> -> memref<180x56xi32, #tpu.memory_space<hbm>>
      tpu.enqueue_dma source(%dma_start3A_92 : memref<180x56xi32, #tpu.memory_space<hbm>>) target(%arg8 : memref<180x56xi32, #tpu.memory_space<vmem>>) target_semaphore(%run_scoped3A : memref<!tpu.dma_semaphore, #tpu.memory_space<semaphore_mem>>)
      %dma_wait3A_93 = arith.constant 0 : i32
      %dma_wait3A_94 = arith.constant 0 : i32
      %dma_wait3A_95 = tpu.memref_slice %arg4[%add3A, %dma_wait3A_93, %dma_wait3A_94] : memref<32x180x56xi32, #tpu.memory_space<hbm>> -> memref<1x180x56xi32, #tpu.memory_space<hbm>>
      %dma_wait3A_96 = tpu.memref_squeeze %dma_wait3A_95 : memref<1x180x56xi32, #tpu.memory_space<hbm>> -> memref<180x56xi32, #tpu.memory_space<hbm>>
      %dma_wait3A_97 = arith.constant 0 : i32
      %dma_wait3A_98 = arith.constant 0 : i32
      %dma_wait3A_99 = tpu.memref_slice %arg4[%add3A, %dma_wait3A_97, %dma_wait3A_98] : memref<32x180x56xi32, #tpu.memory_space<hbm>> -> memref<1x180x56xi32, #tpu.memory_space<hbm>>
      %dma_wait3A_100 = tpu.memref_squeeze %dma_wait3A_99 : memref<1x180x56xi32, #tpu.memory_space<hbm>> -> memref<180x56xi32, #tpu.memory_space<hbm>>
      tpu.wait_dma2 semaphore(%run_scoped3A : memref<!tpu.dma_semaphore, #tpu.memory_space<semaphore_mem>>) src(%dma_wait3A_100 : memref<180x56xi32, #tpu.memory_space<hbm>>) dst(%arg8 : memref<180x56xi32, #tpu.memory_space<vmem>>)
      tpu.yield
    }) : () -> ()
    %barrier3A = arith.constant 0 : index
    tpu.barrier barrier_id(%barrier3A)
    %dma_start3A = arith.constant 0 : i32
    %dma_start3A_5 = arith.constant 0 : i32
    %dma_start3A_6 = arith.constant 0 : i32
    %dma_start3A_7 = arith.constant 0 : i32
    %dma_start3A_8 = tpu.memref_slice %arg9[%dma_start3A_5, %dma_start3A_6, %dma_start3A_7] : memref<4x56x128xf32, #tpu.memory_space<vmem>> -> memref<1x56x128xf32, #tpu.memory_space<vmem>>
    %dma_start3A_9 = tpu.memref_squeeze %dma_start3A_8 : memref<1x56x128xf32, #tpu.memory_space<vmem>> -> memref<56x128xf32, #tpu.memory_space<vmem>>
    %dma_start3A_10 = arith.constant 0 : i32
    %dma_start3A_11 = tpu.memref_slice %arg7[%dma_start3A, %dma_start3A_10] : memref<180x56xi32, #tpu.memory_space<vmem>> -> memref<1x56xi32, #tpu.memory_space<vmem>>
    %dma_start3A_12 = tpu.memref_squeeze %dma_start3A_11 : memref<1x56xi32, #tpu.memory_space<vmem>> -> memref<56xi32, #tpu.memory_space<vmem>>
    %dma_start3A_13 = arith.constant 0 : i32
    %dma_start3A_14 = arith.constant 0 : i32
    %dma_start3A_15 = tpu.memref_slice %arg2[%dma_start3A_13, %dma_start3A_14] : memref<10000x128xf32, #tpu.memory_space<hbm>> -> memref<10000x128xf32, #tpu.memory_space<hbm>>
    tpu.enqueue_indirect_dma source(%dma_start3A_15 : memref<10000x128xf32, #tpu.memory_space<hbm>>) target(%dma_start3A_9 : memref<56x128xf32, #tpu.memory_space<vmem>>) offsets(%dma_start3A_12 : memref<56xi32, #tpu.memory_space<vmem>>) semaphore(%arg10 : memref<!tpu.dma_semaphore, #tpu.memory_space<semaphore_mem>>)
    %dma_start3A_16 = arith.constant 1 : i32
    %dma_start3A_17 = arith.constant 1 : i32
    %dma_start3A_18 = arith.constant 0 : i32
    %dma_start3A_19 = arith.constant 0 : i32
    %dma_start3A_20 = tpu.memref_slice %arg9[%dma_start3A_17, %dma_start3A_18, %dma_start3A_19] : memref<4x56x128xf32, #tpu.memory_space<vmem>> -> memref<1x56x128xf32, #tpu.memory_space<vmem>>
    %dma_start3A_21 = tpu.memref_squeeze %dma_start3A_20 : memref<1x56x128xf32, #tpu.memory_space<vmem>> -> memref<56x128xf32, #tpu.memory_space<vmem>>
    %dma_start3A_22 = arith.constant 0 : i32
    %dma_start3A_23 = tpu.memref_slice %arg7[%dma_start3A_16, %dma_start3A_22] : memref<180x56xi32, #tpu.memory_space<vmem>> -> memref<1x56xi32, #tpu.memory_space<vmem>>
    %dma_start3A_24 = tpu.memref_squeeze %dma_start3A_23 : memref<1x56xi32, #tpu.memory_space<vmem>> -> memref<56xi32, #tpu.memory_space<vmem>>
    %dma_start3A_25 = arith.constant 0 : i32
    %dma_start3A_26 = arith.constant 0 : i32
    %dma_start3A_27 = tpu.memref_slice %arg2[%dma_start3A_25, %dma_start3A_26] : memref<10000x128xf32, #tpu.memory_space<hbm>> -> memref<10000x128xf32, #tpu.memory_space<hbm>>
    tpu.enqueue_indirect_dma source(%dma_start3A_27 : memref<10000x128xf32, #tpu.memory_space<hbm>>) target(%dma_start3A_21 : memref<56x128xf32, #tpu.memory_space<vmem>>) offsets(%dma_start3A_24 : memref<56xi32, #tpu.memory_space<vmem>>) semaphore(%arg11 : memref<!tpu.dma_semaphore, #tpu.memory_space<semaphore_mem>>)
    %scan3A = arith.constant 0 : i32
    %scan3A_28 = arith.constant 0 : i32
    %scan3A_29 = arith.constant 45 : i32
    %scan3A_30 = arith.addi %scan3A_28, %scan3A_29 : i32
    %scan3A_31 = arith.constant 1 : i32
    scf.for %scan3A_85 = %scan3A_28 to %scan3A_30 step %scan3A_31  : i32 {
      %mul3A_86 = arith.constant 4 : i32
      %mul3A_87 = arith.muli %mul3A_86, %scan3A_85 : i32
      %add3A_88 = arith.constant 0 : i32
      %add3A_89 = arith.addi %mul3A_87, %add3A_88 : i32
      %add3A_90 = arith.constant 2 : i32
      %add3A_91 = arith.addi %add3A_89, %add3A_90 : i32
      %lt3A = arith.constant 180 : i32
      %lt3A_92 = arith.cmpi slt, %add3A_91, %lt3A : i32
      %convert_element_type3A = arith.extui %lt3A_92 : i1 to i32
      %cond3A = arith.constant 0 : i32
      %cond3A_93 = arith.cmpi ne, %convert_element_type3A, %cond3A : i32
      scf.if %cond3A_93 {
        %ge3A = arith.constant 2 : i32
        %ge3A_215 = arith.cmpi sge, %add3A_89, %ge3A : i32
        %convert_element_type3A_216 = arith.extui %ge3A_215 : i1 to i32
        %cond3A_217 = arith.constant 0 : i32
        %cond3A_218 = arith.cmpi ne, %convert_element_type3A_216, %cond3A_217 : i32
        scf.if %cond3A_218 {
          %sub3A = arith.constant 2 : i32
          %sub3A_232 = arith.subi %add3A_89, %sub3A : i32
          %dma_wait3A_233 = arith.constant 2 : i32
          %dma_wait3A_234 = arith.constant 0 : i32
          %dma_wait3A_235 = arith.constant 0 : i32
          %dma_wait3A_236 = tpu.memref_slice %arg9[%dma_wait3A_233, %dma_wait3A_234, %dma_wait3A_235] : memref<4x56x128xf32, #tpu.memory_space<vmem>> -> memref<1x56x128xf32, #tpu.memory_space<vmem>>
          %dma_wait3A_237 = tpu.memref_squeeze %dma_wait3A_236 : memref<1x56x128xf32, #tpu.memory_space<vmem>> -> memref<56x128xf32, #tpu.memory_space<vmem>>
          %dma_wait3A_238 = arith.constant 0 : i32
          %dma_wait3A_239 = tpu.memref_slice %arg8[%sub3A_232, %dma_wait3A_238] : memref<180x56xi32, #tpu.memory_space<vmem>> -> memref<1x56xi32, #tpu.memory_space<vmem>>
          %dma_wait3A_240 = tpu.memref_squeeze %dma_wait3A_239 : memref<1x56xi32, #tpu.memory_space<vmem>> -> memref<56xi32, #tpu.memory_space<vmem>>
          %dma_wait3A_241 = arith.constant 0 : i32
          %dma_wait3A_242 = arith.constant 0 : i32
          %dma_wait3A_243 = tpu.memref_slice %arg18[%dma_wait3A_241, %dma_wait3A_242] : memref<10112x128xf32, #tpu.memory_space<vmem_shared>> -> memref<10112x128xf32, #tpu.memory_space<vmem_shared>>
          tpu.wait_indirect_dma semaphore(%arg16 : memref<!tpu.dma_semaphore, #tpu.memory_space<semaphore_mem>>) src(%dma_wait3A_237 : memref<56x128xf32, #tpu.memory_space<vmem>>) dst(%dma_wait3A_243 : memref<10112x128xf32, #tpu.memory_space<vmem_shared>>)
        } else {
        }
        %add3A_219 = arith.constant 2 : i32
        %add3A_220 = arith.addi %add3A_89, %add3A_219 : i32
        %dma_start3A_221 = arith.constant 2 : i32
        %dma_start3A_222 = arith.constant 0 : i32
        %dma_start3A_223 = arith.constant 0 : i32
        %dma_start3A_224 = tpu.memref_slice %arg9[%dma_start3A_221, %dma_start3A_222, %dma_start3A_223] : memref<4x56x128xf32, #tpu.memory_space<vmem>> -> memref<1x56x128xf32, #tpu.memory_space<vmem>>
        %dma_start3A_225 = tpu.memref_squeeze %dma_start3A_224 : memref<1x56x128xf32, #tpu.memory_space<vmem>> -> memref<56x128xf32, #tpu.memory_space<vmem>>
        %dma_start3A_226 = arith.constant 0 : i32
        %dma_start3A_227 = tpu.memref_slice %arg7[%add3A_220, %dma_start3A_226] : memref<180x56xi32, #tpu.memory_space<vmem>> -> memref<1x56xi32, #tpu.memory_space<vmem>>
        %dma_start3A_228 = tpu.memref_squeeze %dma_start3A_227 : memref<1x56xi32, #tpu.memory_space<vmem>> -> memref<56xi32, #tpu.memory_space<vmem>>
        %dma_start3A_229 = arith.constant 0 : i32
        %dma_start3A_230 = arith.constant 0 : i32
        %dma_start3A_231 = tpu.memref_slice %arg2[%dma_start3A_229, %dma_start3A_230] : memref<10000x128xf32, #tpu.memory_space<hbm>> -> memref<10000x128xf32, #tpu.memory_space<hbm>>
        tpu.enqueue_indirect_dma source(%dma_start3A_231 : memref<10000x128xf32, #tpu.memory_space<hbm>>) target(%dma_start3A_225 : memref<56x128xf32, #tpu.memory_space<vmem>>) offsets(%dma_start3A_228 : memref<56xi32, #tpu.memory_space<vmem>>) semaphore(%arg12 : memref<!tpu.dma_semaphore, #tpu.memory_space<semaphore_mem>>)
      } else {
      }
      %dma_wait3A_94 = arith.constant 0 : i32
      %dma_wait3A_95 = arith.constant 0 : i32
      %dma_wait3A_96 = arith.constant 0 : i32
      %dma_wait3A_97 = tpu.memref_slice %arg9[%dma_wait3A_94, %dma_wait3A_95, %dma_wait3A_96] : memref<4x56x128xf32, #tpu.memory_space<vmem>> -> memref<1x56x128xf32, #tpu.memory_space<vmem>>
      %dma_wait3A_98 = tpu.memref_squeeze %dma_wait3A_97 : memref<1x56x128xf32, #tpu.memory_space<vmem>> -> memref<56x128xf32, #tpu.memory_space<vmem>>
      %dma_wait3A_99 = arith.constant 0 : i32
      %dma_wait3A_100 = tpu.memref_slice %arg7[%add3A_89, %dma_wait3A_99] : memref<180x56xi32, #tpu.memory_space<vmem>> -> memref<1x56xi32, #tpu.memory_space<vmem>>
      %dma_wait3A_101 = tpu.memref_squeeze %dma_wait3A_100 : memref<1x56xi32, #tpu.memory_space<vmem>> -> memref<56xi32, #tpu.memory_space<vmem>>
      %dma_wait3A_102 = arith.constant 0 : i32
      %dma_wait3A_103 = arith.constant 0 : i32
      %dma_wait3A_104 = tpu.memref_slice %arg2[%dma_wait3A_102, %dma_wait3A_103] : memref<10000x128xf32, #tpu.memory_space<hbm>> -> memref<10000x128xf32, #tpu.memory_space<hbm>>
      tpu.wait_indirect_dma semaphore(%arg10 : memref<!tpu.dma_semaphore, #tpu.memory_space<semaphore_mem>>) src(%dma_wait3A_104 : memref<10000x128xf32, #tpu.memory_space<hbm>>) dst(%dma_wait3A_98 : memref<56x128xf32, #tpu.memory_space<vmem>>)
      %dma_start3A_105 = arith.constant 0 : i32
      %dma_start3A_106 = arith.constant 0 : i32
      %dma_start3A_107 = arith.constant 0 : i32
      %dma_start3A_108 = tpu.memref_slice %arg9[%dma_start3A_105, %dma_start3A_106, %dma_start3A_107] : memref<4x56x128xf32, #tpu.memory_space<vmem>> -> memref<1x56x128xf32, #tpu.memory_space<vmem>>
      %dma_start3A_109 = tpu.memref_squeeze %dma_start3A_108 : memref<1x56x128xf32, #tpu.memory_space<vmem>> -> memref<56x128xf32, #tpu.memory_space<vmem>>
      %dma_start3A_110 = arith.constant 0 : i32
      %dma_start3A_111 = tpu.memref_slice %arg8[%add3A_89, %dma_start3A_110] : memref<180x56xi32, #tpu.memory_space<vmem>> -> memref<1x56xi32, #tpu.memory_space<vmem>>
      %dma_start3A_112 = tpu.memref_squeeze %dma_start3A_111 : memref<1x56xi32, #tpu.memory_space<vmem>> -> memref<56xi32, #tpu.memory_space<vmem>>
      %dma_start3A_113 = arith.constant 0 : i32
      %dma_start3A_114 = arith.constant 0 : i32
      %dma_start3A_115 = tpu.memref_slice %arg18[%dma_start3A_113, %dma_start3A_114] : memref<10112x128xf32, #tpu.memory_space<vmem_shared>> -> memref<10112x128xf32, #tpu.memory_space<vmem_shared>>
      tpu.enqueue_indirect_dma source(%dma_start3A_109 : memref<56x128xf32, #tpu.memory_space<vmem>>) target(%dma_start3A_115 : memref<10112x128xf32, #tpu.memory_space<vmem_shared>>) offsets(%dma_start3A_112 : memref<56xi32, #tpu.memory_space<vmem>>) semaphore(%arg14 : memref<!tpu.dma_semaphore, #tpu.memory_space<semaphore_mem>>) {add = true}
      %mul3A_116 = arith.constant 4 : i32
      %mul3A_117 = arith.muli %mul3A_116, %scan3A_85 : i32
      %add3A_118 = arith.constant 1 : i32
      %add3A_119 = arith.addi %mul3A_117, %add3A_118 : i32
      %add3A_120 = arith.constant 2 : i32
      %add3A_121 = arith.addi %add3A_119, %add3A_120 : i32
      %lt3A_122 = arith.constant 180 : i32
      %lt3A_123 = arith.cmpi slt, %add3A_121, %lt3A_122 : i32
      %convert_element_type3A_124 = arith.extui %lt3A_123 : i1 to i32
      %cond3A_125 = arith.constant 0 : i32
      %cond3A_126 = arith.cmpi ne, %convert_element_type3A_124, %cond3A_125 : i32
      scf.if %cond3A_126 {
        %ge3A = arith.constant 2 : i32
        %ge3A_215 = arith.cmpi sge, %add3A_119, %ge3A : i32
        %convert_element_type3A_216 = arith.extui %ge3A_215 : i1 to i32
        %cond3A_217 = arith.constant 0 : i32
        %cond3A_218 = arith.cmpi ne, %convert_element_type3A_216, %cond3A_217 : i32
        scf.if %cond3A_218 {
          %sub3A = arith.constant 2 : i32
          %sub3A_232 = arith.subi %add3A_119, %sub3A : i32
          %dma_wait3A_233 = arith.constant 3 : i32
          %dma_wait3A_234 = arith.constant 0 : i32
          %dma_wait3A_235 = arith.constant 0 : i32
          %dma_wait3A_236 = tpu.memref_slice %arg9[%dma_wait3A_233, %dma_wait3A_234, %dma_wait3A_235] : memref<4x56x128xf32, #tpu.memory_space<vmem>> -> memref<1x56x128xf32, #tpu.memory_space<vmem>>
          %dma_wait3A_237 = tpu.memref_squeeze %dma_wait3A_236 : memref<1x56x128xf32, #tpu.memory_space<vmem>> -> memref<56x128xf32, #tpu.memory_space<vmem>>
          %dma_wait3A_238 = arith.constant 0 : i32
          %dma_wait3A_239 = tpu.memref_slice %arg8[%sub3A_232, %dma_wait3A_238] : memref<180x56xi32, #tpu.memory_space<vmem>> -> memref<1x56xi32, #tpu.memory_space<vmem>>
          %dma_wait3A_240 = tpu.memref_squeeze %dma_wait3A_239 : memref<1x56xi32, #tpu.memory_space<vmem>> -> memref<56xi32, #tpu.memory_space<vmem>>
          %dma_wait3A_241 = arith.constant 0 : i32
          %dma_wait3A_242 = arith.constant 0 : i32
          %dma_wait3A_243 = tpu.memref_slice %arg18[%dma_wait3A_241, %dma_wait3A_242] : memref<10112x128xf32, #tpu.memory_space<vmem_shared>> -> memref<10112x128xf32, #tpu.memory_space<vmem_shared>>
          tpu.wait_indirect_dma semaphore(%arg17 : memref<!tpu.dma_semaphore, #tpu.memory_space<semaphore_mem>>) src(%dma_wait3A_237 : memref<56x128xf32, #tpu.memory_space<vmem>>) dst(%dma_wait3A_243 : memref<10112x128xf32, #tpu.memory_space<vmem_shared>>)
        } else {
        }
        %add3A_219 = arith.constant 2 : i32
        %add3A_220 = arith.addi %add3A_119, %add3A_219 : i32
        %dma_start3A_221 = arith.constant 3 : i32
        %dma_start3A_222 = arith.constant 0 : i32
        %dma_start3A_223 = arith.constant 0 : i32
        %dma_start3A_224 = tpu.memref_slice %arg9[%dma_start3A_221, %dma_start3A_222, %dma_start3A_223] : memref<4x56x128xf32, #tpu.memory_space<vmem>> -> memref<1x56x128xf32, #tpu.memory_space<vmem>>
        %dma_start3A_225 = tpu.memref_squeeze %dma_start3A_224 : memref<1x56x128xf32, #tpu.memory_space<vmem>> -> memref<56x128xf32, #tpu.memory_space<vmem>>
        %dma_start3A_226 = arith.constant 0 : i32
        %dma_start3A_227 = tpu.memref_slice %arg7[%add3A_220, %dma_start3A_226] : memref<180x56xi32, #tpu.memory_space<vmem>> -> memref<1x56xi32, #tpu.memory_space<vmem>>
        %dma_start3A_228 = tpu.memref_squeeze %dma_start3A_227 : memref<1x56xi32, #tpu.memory_space<vmem>> -> memref<56xi32, #tpu.memory_space<vmem>>
        %dma_start3A_229 = arith.constant 0 : i32
        %dma_start3A_230 = arith.constant 0 : i32
        %dma_start3A_231 = tpu.memref_slice %arg2[%dma_start3A_229, %dma_start3A_230] : memref<10000x128xf32, #tpu.memory_space<hbm>> -> memref<10000x128xf32, #tpu.memory_space<hbm>>
        tpu.enqueue_indirect_dma source(%dma_start3A_231 : memref<10000x128xf32, #tpu.memory_space<hbm>>) target(%dma_start3A_225 : memref<56x128xf32, #tpu.memory_space<vmem>>) offsets(%dma_start3A_228 : memref<56xi32, #tpu.memory_space<vmem>>) semaphore(%arg13 : memref<!tpu.dma_semaphore, #tpu.memory_space<semaphore_mem>>)
      } else {
      }
      %dma_wait3A_127 = arith.constant 1 : i32
      %dma_wait3A_128 = arith.constant 0 : i32
      %dma_wait3A_129 = arith.constant 0 : i32
      %dma_wait3A_130 = tpu.memref_slice %arg9[%dma_wait3A_127, %dma_wait3A_128, %dma_wait3A_129] : memref<4x56x128xf32, #tpu.memory_space<vmem>> -> memref<1x56x128xf32, #tpu.memory_space<vmem>>
      %dma_wait3A_131 = tpu.memref_squeeze %dma_wait3A_130 : memref<1x56x128xf32, #tpu.memory_space<vmem>> -> memref<56x128xf32, #tpu.memory_space<vmem>>
      %dma_wait3A_132 = arith.constant 0 : i32
      %dma_wait3A_133 = tpu.memref_slice %arg7[%add3A_119, %dma_wait3A_132] : memref<180x56xi32, #tpu.memory_space<vmem>> -> memref<1x56xi32, #tpu.memory_space<vmem>>
      %dma_wait3A_134 = tpu.memref_squeeze %dma_wait3A_133 : memref<1x56xi32, #tpu.memory_space<vmem>> -> memref<56xi32, #tpu.memory_space<vmem>>
      %dma_wait3A_135 = arith.constant 0 : i32
      %dma_wait3A_136 = arith.constant 0 : i32
      %dma_wait3A_137 = tpu.memref_slice %arg2[%dma_wait3A_135, %dma_wait3A_136] : memref<10000x128xf32, #tpu.memory_space<hbm>> -> memref<10000x128xf32, #tpu.memory_space<hbm>>
      tpu.wait_indirect_dma semaphore(%arg11 : memref<!tpu.dma_semaphore, #tpu.memory_space<semaphore_mem>>) src(%dma_wait3A_137 : memref<10000x128xf32, #tpu.memory_space<hbm>>) dst(%dma_wait3A_131 : memref<56x128xf32, #tpu.memory_space<vmem>>)
      %dma_start3A_138 = arith.constant 1 : i32
      %dma_start3A_139 = arith.constant 0 : i32
      %dma_start3A_140 = arith.constant 0 : i32
      %dma_start3A_141 = tpu.memref_slice %arg9[%dma_start3A_138, %dma_start3A_139, %dma_start3A_140] : memref<4x56x128xf32, #tpu.memory_space<vmem>> -> memref<1x56x128xf32, #tpu.memory_space<vmem>>
      %dma_start3A_142 = tpu.memref_squeeze %dma_start3A_141 : memref<1x56x128xf32, #tpu.memory_space<vmem>> -> memref<56x128xf32, #tpu.memory_space<vmem>>
      %dma_start3A_143 = arith.constant 0 : i32
      %dma_start3A_144 = tpu.memref_slice %arg8[%add3A_119, %dma_start3A_143] : memref<180x56xi32, #tpu.memory_space<vmem>> -> memref<1x56xi32, #tpu.memory_space<vmem>>
      %dma_start3A_145 = tpu.memref_squeeze %dma_start3A_144 : memref<1x56xi32, #tpu.memory_space<vmem>> -> memref<56xi32, #tpu.memory_space<vmem>>
      %dma_start3A_146 = arith.constant 0 : i32
      %dma_start3A_147 = arith.constant 0 : i32
      %dma_start3A_148 = tpu.memref_slice %arg18[%dma_start3A_146, %dma_start3A_147] : memref<10112x128xf32, #tpu.memory_space<vmem_shared>> -> memref<10112x128xf32, #tpu.memory_space<vmem_shared>>
      tpu.enqueue_indirect_dma source(%dma_start3A_142 : memref<56x128xf32, #tpu.memory_space<vmem>>) target(%dma_start3A_148 : memref<10112x128xf32, #tpu.memory_space<vmem_shared>>) offsets(%dma_start3A_145 : memref<56xi32, #tpu.memory_space<vmem>>) semaphore(%arg15 : memref<!tpu.dma_semaphore, #tpu.memory_space<semaphore_mem>>) {add = true}
      %mul3A_149 = arith.constant 4 : i32
      %mul3A_150 = arith.muli %mul3A_149, %scan3A_85 : i32
      %add3A_151 = arith.constant 2 : i32
      %add3A_152 = arith.addi %mul3A_150, %add3A_151 : i32
      %add3A_153 = arith.constant 2 : i32
      %add3A_154 = arith.addi %add3A_152, %add3A_153 : i32
      %lt3A_155 = arith.constant 180 : i32
      %lt3A_156 = arith.cmpi slt, %add3A_154, %lt3A_155 : i32
      %convert_element_type3A_157 = arith.extui %lt3A_156 : i1 to i32
      %cond3A_158 = arith.constant 0 : i32
      %cond3A_159 = arith.cmpi ne, %convert_element_type3A_157, %cond3A_158 : i32
      scf.if %cond3A_159 {
        %ge3A = arith.constant 2 : i32
        %ge3A_215 = arith.cmpi sge, %add3A_152, %ge3A : i32
        %convert_element_type3A_216 = arith.extui %ge3A_215 : i1 to i32
        %cond3A_217 = arith.constant 0 : i32
        %cond3A_218 = arith.cmpi ne, %convert_element_type3A_216, %cond3A_217 : i32
        scf.if %cond3A_218 {
          %sub3A = arith.constant 2 : i32
          %sub3A_232 = arith.subi %add3A_152, %sub3A : i32
          %dma_wait3A_233 = arith.constant 0 : i32
          %dma_wait3A_234 = arith.constant 0 : i32
          %dma_wait3A_235 = arith.constant 0 : i32
          %dma_wait3A_236 = tpu.memref_slice %arg9[%dma_wait3A_233, %dma_wait3A_234, %dma_wait3A_235] : memref<4x56x128xf32, #tpu.memory_space<vmem>> -> memref<1x56x128xf32, #tpu.memory_space<vmem>>
          %dma_wait3A_237 = tpu.memref_squeeze %dma_wait3A_236 : memref<1x56x128xf32, #tpu.memory_space<vmem>> -> memref<56x128xf32, #tpu.memory_space<vmem>>
          %dma_wait3A_238 = arith.constant 0 : i32
          %dma_wait3A_239 = tpu.memref_slice %arg8[%sub3A_232, %dma_wait3A_238] : memref<180x56xi32, #tpu.memory_space<vmem>> -> memref<1x56xi32, #tpu.memory_space<vmem>>
          %dma_wait3A_240 = tpu.memref_squeeze %dma_wait3A_239 : memref<1x56xi32, #tpu.memory_space<vmem>> -> memref<56xi32, #tpu.memory_space<vmem>>
          %dma_wait3A_241 = arith.constant 0 : i32
          %dma_wait3A_242 = arith.constant 0 : i32
          %dma_wait3A_243 = tpu.memref_slice %arg18[%dma_wait3A_241, %dma_wait3A_242] : memref<10112x128xf32, #tpu.memory_space<vmem_shared>> -> memref<10112x128xf32, #tpu.memory_space<vmem_shared>>
          tpu.wait_indirect_dma semaphore(%arg14 : memref<!tpu.dma_semaphore, #tpu.memory_space<semaphore_mem>>) src(%dma_wait3A_237 : memref<56x128xf32, #tpu.memory_space<vmem>>) dst(%dma_wait3A_243 : memref<10112x128xf32, #tpu.memory_space<vmem_shared>>)
        } else {
        }
        %add3A_219 = arith.constant 2 : i32
        %add3A_220 = arith.addi %add3A_152, %add3A_219 : i32
        %dma_start3A_221 = arith.constant 0 : i32
        %dma_start3A_222 = arith.constant 0 : i32
        %dma_start3A_223 = arith.constant 0 : i32
        %dma_start3A_224 = tpu.memref_slice %arg9[%dma_start3A_221, %dma_start3A_222, %dma_start3A_223] : memref<4x56x128xf32, #tpu.memory_space<vmem>> -> memref<1x56x128xf32, #tpu.memory_space<vmem>>
        %dma_start3A_225 = tpu.memref_squeeze %dma_start3A_224 : memref<1x56x128xf32, #tpu.memory_space<vmem>> -> memref<56x128xf32, #tpu.memory_space<vmem>>
        %dma_start3A_226 = arith.constant 0 : i32
        %dma_start3A_227 = tpu.memref_slice %arg7[%add3A_220, %dma_start3A_226] : memref<180x56xi32, #tpu.memory_space<vmem>> -> memref<1x56xi32, #tpu.memory_space<vmem>>
        %dma_start3A_228 = tpu.memref_squeeze %dma_start3A_227 : memref<1x56xi32, #tpu.memory_space<vmem>> -> memref<56xi32, #tpu.memory_space<vmem>>
        %dma_start3A_229 = arith.constant 0 : i32
        %dma_start3A_230 = arith.constant 0 : i32
        %dma_start3A_231 = tpu.memref_slice %arg2[%dma_start3A_229, %dma_start3A_230] : memref<10000x128xf32, #tpu.memory_space<hbm>> -> memref<10000x128xf32, #tpu.memory_space<hbm>>
        tpu.enqueue_indirect_dma source(%dma_start3A_231 : memref<10000x128xf32, #tpu.memory_space<hbm>>) target(%dma_start3A_225 : memref<56x128xf32, #tpu.memory_space<vmem>>) offsets(%dma_start3A_228 : memref<56xi32, #tpu.memory_space<vmem>>) semaphore(%arg10 : memref<!tpu.dma_semaphore, #tpu.memory_space<semaphore_mem>>)
      } else {
      }
      %dma_wait3A_160 = arith.constant 2 : i32
      %dma_wait3A_161 = arith.constant 0 : i32
      %dma_wait3A_162 = arith.constant 0 : i32
      %dma_wait3A_163 = tpu.memref_slice %arg9[%dma_wait3A_160, %dma_wait3A_161, %dma_wait3A_162] : memref<4x56x128xf32, #tpu.memory_space<vmem>> -> memref<1x56x128xf32, #tpu.memory_space<vmem>>
      %dma_wait3A_164 = tpu.memref_squeeze %dma_wait3A_163 : memref<1x56x128xf32, #tpu.memory_space<vmem>> -> memref<56x128xf32, #tpu.memory_space<vmem>>
      %dma_wait3A_165 = arith.constant 0 : i32
      %dma_wait3A_166 = tpu.memref_slice %arg7[%add3A_152, %dma_wait3A_165] : memref<180x56xi32, #tpu.memory_space<vmem>> -> memref<1x56xi32, #tpu.memory_space<vmem>>
      %dma_wait3A_167 = tpu.memref_squeeze %dma_wait3A_166 : memref<1x56xi32, #tpu.memory_space<vmem>> -> memref<56xi32, #tpu.memory_space<vmem>>
      %dma_wait3A_168 = arith.constant 0 : i32
      %dma_wait3A_169 = arith.constant 0 : i32
      %dma_wait3A_170 = tpu.memref_slice %arg2[%dma_wait3A_168, %dma_wait3A_169] : memref<10000x128xf32, #tpu.memory_space<hbm>> -> memref<10000x128xf32, #tpu.memory_space<hbm>>
      tpu.wait_indirect_dma semaphore(%arg12 : memref<!tpu.dma_semaphore, #tpu.memory_space<semaphore_mem>>) src(%dma_wait3A_170 : memref<10000x128xf32, #tpu.memory_space<hbm>>) dst(%dma_wait3A_164 : memref<56x128xf32, #tpu.memory_space<vmem>>)
      %dma_start3A_171 = arith.constant 2 : i32
      %dma_start3A_172 = arith.constant 0 : i32
      %dma_start3A_173 = arith.constant 0 : i32
      %dma_start3A_174 = tpu.memref_slice %arg9[%dma_start3A_171, %dma_start3A_172, %dma_start3A_173] : memref<4x56x128xf32, #tpu.memory_space<vmem>> -> memref<1x56x128xf32, #tpu.memory_space<vmem>>
      %dma_start3A_175 = tpu.memref_squeeze %dma_start3A_174 : memref<1x56x128xf32, #tpu.memory_space<vmem>> -> memref<56x128xf32, #tpu.memory_space<vmem>>
      %dma_start3A_176 = arith.constant 0 : i32
      %dma_start3A_177 = tpu.memref_slice %arg8[%add3A_152, %dma_start3A_176] : memref<180x56xi32, #tpu.memory_space<vmem>> -> memref<1x56xi32, #tpu.memory_space<vmem>>
      %dma_start3A_178 = tpu.memref_squeeze %dma_start3A_177 : memref<1x56xi32, #tpu.memory_space<vmem>> -> memref<56xi32, #tpu.memory_space<vmem>>
      %dma_start3A_179 = arith.constant 0 : i32
      %dma_start3A_180 = arith.constant 0 : i32
      %dma_start3A_181 = tpu.memref_slice %arg18[%dma_start3A_179, %dma_start3A_180] : memref<10112x128xf32, #tpu.memory_space<vmem_shared>> -> memref<10112x128xf32, #tpu.memory_space<vmem_shared>>
      tpu.enqueue_indirect_dma source(%dma_start3A_175 : memref<56x128xf32, #tpu.memory_space<vmem>>) target(%dma_start3A_181 : memref<10112x128xf32, #tpu.memory_space<vmem_shared>>) offsets(%dma_start3A_178 : memref<56xi32, #tpu.memory_space<vmem>>) semaphore(%arg16 : memref<!tpu.dma_semaphore, #tpu.memory_space<semaphore_mem>>) {add = true}
      %mul3A_182 = arith.constant 4 : i32
      %mul3A_183 = arith.muli %mul3A_182, %scan3A_85 : i32
      %add3A_184 = arith.constant 3 : i32
      %add3A_185 = arith.addi %mul3A_183, %add3A_184 : i32
      %add3A_186 = arith.constant 2 : i32
      %add3A_187 = arith.addi %add3A_185, %add3A_186 : i32
      %lt3A_188 = arith.constant 180 : i32
      %lt3A_189 = arith.cmpi slt, %add3A_187, %lt3A_188 : i32
      %convert_element_type3A_190 = arith.extui %lt3A_189 : i1 to i32
      %cond3A_191 = arith.constant 0 : i32
      %cond3A_192 = arith.cmpi ne, %convert_element_type3A_190, %cond3A_191 : i32
      scf.if %cond3A_192 {
        %ge3A = arith.constant 2 : i32
        %ge3A_215 = arith.cmpi sge, %add3A_185, %ge3A : i32
        %convert_element_type3A_216 = arith.extui %ge3A_215 : i1 to i32
        %cond3A_217 = arith.constant 0 : i32
        %cond3A_218 = arith.cmpi ne, %convert_element_type3A_216, %cond3A_217 : i32
        scf.if %cond3A_218 {
          %sub3A = arith.constant 2 : i32
          %sub3A_232 = arith.subi %add3A_185, %sub3A : i32
          %dma_wait3A_233 = arith.constant 1 : i32
          %dma_wait3A_234 = arith.constant 0 : i32
          %dma_wait3A_235 = arith.constant 0 : i32
          %dma_wait3A_236 = tpu.memref_slice %arg9[%dma_wait3A_233, %dma_wait3A_234, %dma_wait3A_235] : memref<4x56x128xf32, #tpu.memory_space<vmem>> -> memref<1x56x128xf32, #tpu.memory_space<vmem>>
          %dma_wait3A_237 = tpu.memref_squeeze %dma_wait3A_236 : memref<1x56x128xf32, #tpu.memory_space<vmem>> -> memref<56x128xf32, #tpu.memory_space<vmem>>
          %dma_wait3A_238 = arith.constant 0 : i32
          %dma_wait3A_239 = tpu.memref_slice %arg8[%sub3A_232, %dma_wait3A_238] : memref<180x56xi32, #tpu.memory_space<vmem>> -> memref<1x56xi32, #tpu.memory_space<vmem>>
          %dma_wait3A_240 = tpu.memref_squeeze %dma_wait3A_239 : memref<1x56xi32, #tpu.memory_space<vmem>> -> memref<56xi32, #tpu.memory_space<vmem>>
          %dma_wait3A_241 = arith.constant 0 : i32
          %dma_wait3A_242 = arith.constant 0 : i32
          %dma_wait3A_243 = tpu.memref_slice %arg18[%dma_wait3A_241, %dma_wait3A_242] : memref<10112x128xf32, #tpu.memory_space<vmem_shared>> -> memref<10112x128xf32, #tpu.memory_space<vmem_shared>>
          tpu.wait_indirect_dma semaphore(%arg15 : memref<!tpu.dma_semaphore, #tpu.memory_space<semaphore_mem>>) src(%dma_wait3A_237 : memref<56x128xf32, #tpu.memory_space<vmem>>) dst(%dma_wait3A_243 : memref<10112x128xf32, #tpu.memory_space<vmem_shared>>)
        } else {
        }
        %add3A_219 = arith.constant 2 : i32
        %add3A_220 = arith.addi %add3A_185, %add3A_219 : i32
        %dma_start3A_221 = arith.constant 1 : i32
        %dma_start3A_222 = arith.constant 0 : i32
        %dma_start3A_223 = arith.constant 0 : i32
        %dma_start3A_224 = tpu.memref_slice %arg9[%dma_start3A_221, %dma_start3A_222, %dma_start3A_223] : memref<4x56x128xf32, #tpu.memory_space<vmem>> -> memref<1x56x128xf32, #tpu.memory_space<vmem>>
        %dma_start3A_225 = tpu.memref_squeeze %dma_start3A_224 : memref<1x56x128xf32, #tpu.memory_space<vmem>> -> memref<56x128xf32, #tpu.memory_space<vmem>>
        %dma_start3A_226 = arith.constant 0 : i32
        %dma_start3A_227 = tpu.memref_slice %arg7[%add3A_220, %dma_start3A_226] : memref<180x56xi32, #tpu.memory_space<vmem>> -> memref<1x56xi32, #tpu.memory_space<vmem>>
        %dma_start3A_228 = tpu.memref_squeeze %dma_start3A_227 : memref<1x56xi32, #tpu.memory_space<vmem>> -> memref<56xi32, #tpu.memory_space<vmem>>
        %dma_start3A_229 = arith.constant 0 : i32
        %dma_start3A_230 = arith.constant 0 : i32
        %dma_start3A_231 = tpu.memref_slice %arg2[%dma_start3A_229, %dma_start3A_230] : memref<10000x128xf32, #tpu.memory_space<hbm>> -> memref<10000x128xf32, #tpu.memory_space<hbm>>
        tpu.enqueue_indirect_dma source(%dma_start3A_231 : memref<10000x128xf32, #tpu.memory_space<hbm>>) target(%dma_start3A_225 : memref<56x128xf32, #tpu.memory_space<vmem>>) offsets(%dma_start3A_228 : memref<56xi32, #tpu.memory_space<vmem>>) semaphore(%arg11 : memref<!tpu.dma_semaphore, #tpu.memory_space<semaphore_mem>>)
      } else {
      }
      %dma_wait3A_193 = arith.constant 3 : i32
      %dma_wait3A_194 = arith.constant 0 : i32
      %dma_wait3A_195 = arith.constant 0 : i32
      %dma_wait3A_196 = tpu.memref_slice %arg9[%dma_wait3A_193, %dma_wait3A_194, %dma_wait3A_195] : memref<4x56x128xf32, #tpu.memory_space<vmem>> -> memref<1x56x128xf32, #tpu.memory_space<vmem>>
      %dma_wait3A_197 = tpu.memref_squeeze %dma_wait3A_196 : memref<1x56x128xf32, #tpu.memory_space<vmem>> -> memref<56x128xf32, #tpu.memory_space<vmem>>
      %dma_wait3A_198 = arith.constant 0 : i32
      %dma_wait3A_199 = tpu.memref_slice %arg7[%add3A_185, %dma_wait3A_198] : memref<180x56xi32, #tpu.memory_space<vmem>> -> memref<1x56xi32, #tpu.memory_space<vmem>>
      %dma_wait3A_200 = tpu.memref_squeeze %dma_wait3A_199 : memref<1x56xi32, #tpu.memory_space<vmem>> -> memref<56xi32, #tpu.memory_space<vmem>>
      %dma_wait3A_201 = arith.constant 0 : i32
      %dma_wait3A_202 = arith.constant 0 : i32
      %dma_wait3A_203 = tpu.memref_slice %arg2[%dma_wait3A_201, %dma_wait3A_202] : memref<10000x128xf32, #tpu.memory_space<hbm>> -> memref<10000x128xf32, #tpu.memory_space<hbm>>
      tpu.wait_indirect_dma semaphore(%arg13 : memref<!tpu.dma_semaphore, #tpu.memory_space<semaphore_mem>>) src(%dma_wait3A_203 : memref<10000x128xf32, #tpu.memory_space<hbm>>) dst(%dma_wait3A_197 : memref<56x128xf32, #tpu.memory_space<vmem>>)
      %dma_start3A_204 = arith.constant 3 : i32
      %dma_start3A_205 = arith.constant 0 : i32
      %dma_start3A_206 = arith.constant 0 : i32
      %dma_start3A_207 = tpu.memref_slice %arg9[%dma_start3A_204, %dma_start3A_205, %dma_start3A_206] : memref<4x56x128xf32, #tpu.memory_space<vmem>> -> memref<1x56x128xf32, #tpu.memory_space<vmem>>
      %dma_start3A_208 = tpu.memref_squeeze %dma_start3A_207 : memref<1x56x128xf32, #tpu.memory_space<vmem>> -> memref<56x128xf32, #tpu.memory_space<vmem>>
      %dma_start3A_209 = arith.constant 0 : i32
      %dma_start3A_210 = tpu.memref_slice %arg8[%add3A_185, %dma_start3A_209] : memref<180x56xi32, #tpu.memory_space<vmem>> -> memref<1x56xi32, #tpu.memory_space<vmem>>
      %dma_start3A_211 = tpu.memref_squeeze %dma_start3A_210 : memref<1x56xi32, #tpu.memory_space<vmem>> -> memref<56xi32, #tpu.memory_space<vmem>>
      %dma_start3A_212 = arith.constant 0 : i32
      %dma_start3A_213 = arith.constant 0 : i32
      %dma_start3A_214 = tpu.memref_slice %arg18[%dma_start3A_212, %dma_start3A_213] : memref<10112x128xf32, #tpu.memory_space<vmem_shared>> -> memref<10112x128xf32, #tpu.memory_space<vmem_shared>>
      tpu.enqueue_indirect_dma source(%dma_start3A_208 : memref<56x128xf32, #tpu.memory_space<vmem>>) target(%dma_start3A_214 : memref<10112x128xf32, #tpu.memory_space<vmem_shared>>) offsets(%dma_start3A_211 : memref<56xi32, #tpu.memory_space<vmem>>) semaphore(%arg17 : memref<!tpu.dma_semaphore, #tpu.memory_space<semaphore_mem>>) {add = true}
    }
    %scan3A_32 = arith.constant 45 : i32
    %dma_wait3A = arith.constant 0 : i32
    %dma_wait3A_33 = arith.constant 176 : i32
    %dma_wait3A_34 = arith.constant 0 : i32
    %dma_wait3A_35 = arith.constant 0 : i32
    %dma_wait3A_36 = tpu.memref_slice %arg9[%dma_wait3A, %dma_wait3A_34, %dma_wait3A_35] : memref<4x56x128xf32, #tpu.memory_space<vmem>> -> memref<1x56x128xf32, #tpu.memory_space<vmem>>
    %dma_wait3A_37 = tpu.memref_squeeze %dma_wait3A_36 : memref<1x56x128xf32, #tpu.memory_space<vmem>> -> memref<56x128xf32, #tpu.memory_space<vmem>>
    %dma_wait3A_38 = arith.constant 0 : i32
    %dma_wait3A_39 = tpu.memref_slice %arg8[%dma_wait3A_33, %dma_wait3A_38] : memref<180x56xi32, #tpu.memory_space<vmem>> -> memref<1x56xi32, #tpu.memory_space<vmem>>
    %dma_wait3A_40 = tpu.memref_squeeze %dma_wait3A_39 : memref<1x56xi32, #tpu.memory_space<vmem>> -> memref<56xi32, #tpu.memory_space<vmem>>
    %dma_wait3A_41 = arith.constant 0 : i32
    %dma_wait3A_42 = arith.constant 0 : i32
    %dma_wait3A_43 = tpu.memref_slice %arg18[%dma_wait3A_41, %dma_wait3A_42] : memref<10112x128xf32, #tpu.memory_space<vmem_shared>> -> memref<10112x128xf32, #tpu.memory_space<vmem_shared>>
    tpu.wait_indirect_dma semaphore(%arg14 : memref<!tpu.dma_semaphore, #tpu.memory_space<semaphore_mem>>) src(%dma_wait3A_37 : memref<56x128xf32, #tpu.memory_space<vmem>>) dst(%dma_wait3A_43 : memref<10112x128xf32, #tpu.memory_space<vmem_shared>>)
    %dma_wait3A_44 = arith.constant 1 : i32
    %dma_wait3A_45 = arith.constant 177 : i32
    %dma_wait3A_46 = arith.constant 0 : i32
    %dma_wait3A_47 = arith.constant 0 : i32
    %dma_wait3A_48 = tpu.memref_slice %arg9[%dma_wait3A_44, %dma_wait3A_46, %dma_wait3A_47] : memref<4x56x128xf32, #tpu.memory_space<vmem>> -> memref<1x56x128xf32, #tpu.memory_space<vmem>>
    %dma_wait3A_49 = tpu.memref_squeeze %dma_wait3A_48 : memref<1x56x128xf32, #tpu.memory_space<vmem>> -> memref<56x128xf32, #tpu.memory_space<vmem>>
    %dma_wait3A_50 = arith.constant 0 : i32
    %dma_wait3A_51 = tpu.memref_slice %arg8[%dma_wait3A_45, %dma_wait3A_50] : memref<180x56xi32, #tpu.memory_space<vmem>> -> memref<1x56xi32, #tpu.memory_space<vmem>>
    %dma_wait3A_52 = tpu.memref_squeeze %dma_wait3A_51 : memref<1x56xi32, #tpu.memory_space<vmem>> -> memref<56xi32, #tpu.memory_space<vmem>>
    %dma_wait3A_53 = arith.constant 0 : i32
    %dma_wait3A_54 = arith.constant 0 : i32
    %dma_wait3A_55 = tpu.memref_slice %arg18[%dma_wait3A_53, %dma_wait3A_54] : memref<10112x128xf32, #tpu.memory_space<vmem_shared>> -> memref<10112x128xf32, #tpu.memory_space<vmem_shared>>
    tpu.wait_indirect_dma semaphore(%arg15 : memref<!tpu.dma_semaphore, #tpu.memory_space<semaphore_mem>>) src(%dma_wait3A_49 : memref<56x128xf32, #tpu.memory_space<vmem>>) dst(%dma_wait3A_55 : memref<10112x128xf32, #tpu.memory_space<vmem_shared>>)
    %dma_wait3A_56 = arith.constant 2 : i32
    %dma_wait3A_57 = arith.constant 178 : i32
    %dma_wait3A_58 = arith.constant 0 : i32
    %dma_wait3A_59 = arith.constant 0 : i32
    %dma_wait3A_60 = tpu.memref_slice %arg9[%dma_wait3A_56, %dma_wait3A_58, %dma_wait3A_59] : memref<4x56x128xf32, #tpu.memory_space<vmem>> -> memref<1x56x128xf32, #tpu.memory_space<vmem>>
    %dma_wait3A_61 = tpu.memref_squeeze %dma_wait3A_60 : memref<1x56x128xf32, #tpu.memory_space<vmem>> -> memref<56x128xf32, #tpu.memory_space<vmem>>
    %dma_wait3A_62 = arith.constant 0 : i32
    %dma_wait3A_63 = tpu.memref_slice %arg8[%dma_wait3A_57, %dma_wait3A_62] : memref<180x56xi32, #tpu.memory_space<vmem>> -> memref<1x56xi32, #tpu.memory_space<vmem>>
    %dma_wait3A_64 = tpu.memref_squeeze %dma_wait3A_63 : memref<1x56xi32, #tpu.memory_space<vmem>> -> memref<56xi32, #tpu.memory_space<vmem>>
    %dma_wait3A_65 = arith.constant 0 : i32
    %dma_wait3A_66 = arith.constant 0 : i32
    %dma_wait3A_67 = tpu.memref_slice %arg18[%dma_wait3A_65, %dma_wait3A_66] : memref<10112x128xf32, #tpu.memory_space<vmem_shared>> -> memref<10112x128xf32, #tpu.memory_space<vmem_shared>>
    tpu.wait_indirect_dma semaphore(%arg16 : memref<!tpu.dma_semaphore, #tpu.memory_space<semaphore_mem>>) src(%dma_wait3A_61 : memref<56x128xf32, #tpu.memory_space<vmem>>) dst(%dma_wait3A_67 : memref<10112x128xf32, #tpu.memory_space<vmem_shared>>)
    %dma_wait3A_68 = arith.constant 3 : i32
    %dma_wait3A_69 = arith.constant 179 : i32
    %dma_wait3A_70 = arith.constant 0 : i32
    %dma_wait3A_71 = arith.constant 0 : i32
    %dma_wait3A_72 = tpu.memref_slice %arg9[%dma_wait3A_68, %dma_wait3A_70, %dma_wait3A_71] : memref<4x56x128xf32, #tpu.memory_space<vmem>> -> memref<1x56x128xf32, #tpu.memory_space<vmem>>
    %dma_wait3A_73 = tpu.memref_squeeze %dma_wait3A_72 : memref<1x56x128xf32, #tpu.memory_space<vmem>> -> memref<56x128xf32, #tpu.memory_space<vmem>>
    %dma_wait3A_74 = arith.constant 0 : i32
    %dma_wait3A_75 = tpu.memref_slice %arg8[%dma_wait3A_69, %dma_wait3A_74] : memref<180x56xi32, #tpu.memory_space<vmem>> -> memref<1x56xi32, #tpu.memory_space<vmem>>
    %dma_wait3A_76 = tpu.memref_squeeze %dma_wait3A_75 : memref<1x56xi32, #tpu.memory_space<vmem>> -> memref<56xi32, #tpu.memory_space<vmem>>
    %dma_wait3A_77 = arith.constant 0 : i32
    %dma_wait3A_78 = arith.constant 0 : i32
    %dma_wait3A_79 = tpu.memref_slice %arg18[%dma_wait3A_77, %dma_wait3A_78] : memref<10112x128xf32, #tpu.memory_space<vmem_shared>> -> memref<10112x128xf32, #tpu.memory_space<vmem_shared>>
    tpu.wait_indirect_dma semaphore(%arg17 : memref<!tpu.dma_semaphore, #tpu.memory_space<semaphore_mem>>) src(%dma_wait3A_73 : memref<56x128xf32, #tpu.memory_space<vmem>>) dst(%dma_wait3A_79 : memref<10112x128xf32, #tpu.memory_space<vmem_shared>>)
    %barrier3A_80 = arith.constant 0 : index
    tpu.barrier barrier_id(%barrier3A_80)
    %mul3A_81 = arith.constant 632 : i32
    %mul3A_82 = arith.muli %arg1, %mul3A_81 : i32
    %mul3A_83 = arith.constant 632 : i32
    %mul3A_84 = arith.muli %arg1, %mul3A_83 : i32
    "tpu.region"() ({
      %run_scoped3A = tpu.sem_alloc : memref<!tpu.dma_semaphore, #tpu.memory_space<semaphore_mem>>
      %dma_start3A_85 = arith.constant 0 : i32
      %dma_start3A_86 = tpu.memref_slice %arg6[%arg0, %mul3A_84, %dma_start3A_85] : memref<2x10112x128xf32, #tpu.memory_space<hbm>> -> memref<1x632x128xf32, #tpu.memory_space<hbm>>
      %dma_start3A_87 = tpu.memref_squeeze %dma_start3A_86 : memref<1x632x128xf32, #tpu.memory_space<hbm>> -> memref<632x128xf32, #tpu.memory_space<hbm>>
      %dma_start3A_88 = arith.constant 0 : i32
      %dma_start3A_89 = tpu.memref_slice %arg18[%mul3A_82, %dma_start3A_88] : memref<10112x128xf32, #tpu.memory_space<vmem_shared>> -> memref<632x128xf32, #tpu.memory_space<vmem_shared>>
      tpu.enqueue_dma source(%dma_start3A_89 : memref<632x128xf32, #tpu.memory_space<vmem_shared>>) target(%dma_start3A_87 : memref<632x128xf32, #tpu.memory_space<hbm>>) target_semaphore(%run_scoped3A : memref<!tpu.dma_semaphore, #tpu.memory_space<semaphore_mem>>)
      %dma_wait3A_90 = arith.constant 0 : i32
      %dma_wait3A_91 = tpu.memref_slice %arg6[%arg0, %mul3A_84, %dma_wait3A_90] : memref<2x10112x128xf32, #tpu.memory_space<hbm>> -> memref<1x632x128xf32, #tpu.memory_space<hbm>>
      %dma_wait3A_92 = tpu.memref_squeeze %dma_wait3A_91 : memref<1x632x128xf32, #tpu.memory_space<hbm>> -> memref<632x128xf32, #tpu.memory_space<hbm>>
      %dma_wait3A_93 = arith.constant 0 : i32
      %dma_wait3A_94 = tpu.memref_slice %arg18[%mul3A_82, %dma_wait3A_93] : memref<10112x128xf32, #tpu.memory_space<vmem_shared>> -> memref<632x128xf32, #tpu.memory_space<vmem_shared>>
      tpu.wait_dma2 semaphore(%run_scoped3A : memref<!tpu.dma_semaphore, #tpu.memory_space<semaphore_mem>>) src(%dma_wait3A_94 : memref<632x128xf32, #tpu.memory_space<vmem_shared>>) dst(%dma_wait3A_92 : memref<632x128xf32, #tpu.memory_space<hbm>>)
      tpu.yield
    }) : () -> ()
    return
  }
}

module attributes {stable_mosaic.version = 14 : i64} {
  func.func @body(%arg0: i32, %arg1: memref<1000x128xf32, #tpu.memory_space<vmem>>, %arg2: memref<128x128xf32, #tpu.memory_space<vmem>>, %arg3: memref<1x1000x16xf32, #tpu.memory_space<vmem>>, %arg4: memref<1x1000x16xf32, #tpu.memory_space<vmem>>, %arg5: memref<1000x128xf32, #tpu.memory_space<vmem>>) attributes {dimension_semantics = [#tpu.dimension_semantics<arbitrary>], iteration_bounds = array<i64: 10>, scalar_prefetch = 0 : i64, scratch_operands = 0 : i64, tpu.core_type = #tpu.core_type<tc>, window_params = [{transform_indices = @transform_0, window_bounds = array<i64: 1000, 128>}, {pipeline_mode = #tpu.pipeline_mode<synchronous>, transform_indices = @transform_1, window_bounds = array<i64: 128, 128>}, {transform_indices = @transform_2, window_bounds = array<i64: 1, 1000, 16>}, {transform_indices = @transform_3, window_bounds = array<i64: 1, 1000, 16>}, {transform_indices = @transform_4, window_bounds = array<i64: 1000, 128>}]} {
    %get3A = arith.constant 0 : index
    %get3A_0 = arith.constant 0 : index
    %get3A_1 = arith.constant 0 : index
    %get3A_2 = vector.load %arg3[%get3A, %get3A_0, %get3A_1] : memref<1x1000x16xf32, #tpu.memory_space<vmem>>, vector<1x1000x16xf32>
    %get3A_3 = vector.shape_cast %get3A_2 : vector<1x1000x16xf32> to vector<1000x16xf32>
    %slice3A = vector.extract_strided_slice %get3A_3 {offsets = [0, 0], sizes = [1000, 1], strides = [1, 1]} : vector<1000x16xf32> to vector<1000x1xf32>
    %get3A_4 = arith.constant 0 : index
    %get3A_5 = arith.constant 0 : index
    %get3A_6 = arith.constant 0 : index
    %get3A_7 = vector.load %arg4[%get3A_4, %get3A_5, %get3A_6] : memref<1x1000x16xf32, #tpu.memory_space<vmem>>, vector<1x1000x16xf32>
    %get3A_8 = vector.shape_cast %get3A_7 : vector<1x1000x16xf32> to vector<1000x16xf32>
    %slice3A_9 = vector.extract_strided_slice %get3A_8 {offsets = [0, 0], sizes = [1000, 1], strides = [1, 1]} : vector<1000x16xf32> to vector<1000x1xf32>
    %add3A = arith.addf %slice3A, %slice3A_9 : vector<1000x1xf32>
    %add3A_10 = arith.constant 1.000000e+00 : f32
    %add3A_11 = vector.broadcast %add3A_10 : f32 to vector<1000x1xf32>
    %add3A_12 = arith.addf %add3A, %add3A_11 : vector<1000x1xf32>
    %rsqrt3A = math.rsqrt %add3A_12 : vector<1000x1xf32>
    %get3A_13 = arith.constant 0 : index
    %get3A_14 = arith.constant 0 : index
    %get3A_15 = vector.load %arg1[%get3A_13, %get3A_14] : memref<1000x128xf32, #tpu.memory_space<vmem>>, vector<1000x128xf32>
    %get3A_16 = arith.constant 0 : index
    %get3A_17 = arith.constant 0 : index
    %get3A_18 = vector.load %arg2[%get3A_16, %get3A_17] : memref<128x128xf32, #tpu.memory_space<vmem>>, vector<128x128xf32>
    %dot_general3A = arith.constant dense<0.000000e+00> : vector<1000x128xf32>
    %dot_general3A_19 = tpu.matmul %get3A_15, %get3A_18, %dot_general3A {dimension_numbers = #tpu.dot_dimension_numbers<[1], [0], [0], [1], [0, 0, 1, 1], [], []>, transpose_lhs_hint = false} : vector<1000x128xf32>, vector<128x128xf32>, vector<1000x128xf32> -> vector<1000x128xf32>
    %mul3A = vector.broadcast %rsqrt3A : vector<1000x1xf32> to vector<1000x128xf32>
    %mul3A_20 = arith.mulf %dot_general3A_19, %mul3A : vector<1000x128xf32>
    %swap3A = arith.constant 0 : index
    %swap3A_21 = arith.constant 0 : index
    %swap3A_22 = vector.load %arg5[%swap3A, %swap3A_21] : memref<1000x128xf32, #tpu.memory_space<vmem>>, vector<1000x128xf32>
    tpu.vector_store %arg5[%swap3A, %swap3A_21], %mul3A_20 {strides = array<i32>} : memref<1000x128xf32, #tpu.memory_space<vmem>>, vector<1000x128xf32>,
    return
  }
  func.func @transform_0(%arg0: i32) -> (i32, i32) {
    %c0_i32 = arith.constant 0 : i32
    %c0_i32_0 = arith.constant 0 : i32
    return %arg0, %c0_i32 : i32, i32
  }
  func.func @transform_1(%arg0: i32) -> (i32, i32) {
    %c0_i32 = arith.constant 0 : i32
    %c0_i32_0 = arith.constant 0 : i32
    %c0_i32_1 = arith.constant 0 : i32
    return %c0_i32, %c0_i32_0 : i32, i32
  }
  func.func @transform_2(%arg0: i32) -> (i32, i32, i32) {
    %c0_i32 = arith.constant 0 : i32
    %c0_i32_0 = arith.constant 0 : i32
    %c0_i32_1 = arith.constant 0 : i32
    return %c0_i32, %arg0, %c0_i32_0 : i32, i32, i32
  }
  func.func @transform_3(%arg0: i32) -> (i32, i32, i32) {
    %c1_i32 = arith.constant 1 : i32
    %c0_i32 = arith.constant 0 : i32
    %c0_i32_0 = arith.constant 0 : i32
    return %c1_i32, %arg0, %c0_i32 : i32, i32, i32
  }
  func.func @transform_4(%arg0: i32) -> (i32, i32) {
    %c0_i32 = arith.constant 0 : i32
    %c0_i32_0 = arith.constant 0 : i32
    return %arg0, %c0_i32 : i32, i32
  }
}

module attributes {stable_mosaic.version = 14 : i64} {
  func.func @body(%arg0: i32, %arg1: memref<1x1000x128xf32, #tpu.memory_space<vmem>>, %arg2: memref<1x1000x128xf32, #tpu.memory_space<vmem>>, %arg3: memref<1000x128xf32, #tpu.memory_space<vmem>>, %arg4: memref<1x1000x16xf32, #tpu.memory_space<vmem>>, %arg5: memref<1x1000x16xf32, #tpu.memory_space<vmem>>, %arg6: memref<1x128xf32, #tpu.memory_space<vmem>>, %arg7: memref<128x128xf32, #tpu.memory_space<vmem>>, %arg8: memref<1000x128xf32, #tpu.memory_space<vmem>>) attributes {dimension_semantics = [#tpu.dimension_semantics<arbitrary>], iteration_bounds = array<i64: 10>, scalar_prefetch = 0 : i64, scratch_operands = 0 : i64, tpu.core_type = #tpu.core_type<tc>, window_params = [{transform_indices = @transform_0, window_bounds = array<i64: 1, 1000, 128>}, {transform_indices = @transform_1, window_bounds = array<i64: 1, 1000, 128>}, {transform_indices = @transform_2, window_bounds = array<i64: 1000, 128>}, {transform_indices = @transform_3, window_bounds = array<i64: 1, 1000, 16>}, {transform_indices = @transform_4, window_bounds = array<i64: 1, 1000, 16>}, {pipeline_mode = #tpu.pipeline_mode<synchronous>, transform_indices = @transform_5, window_bounds = array<i64: 1, 128>}, {pipeline_mode = #tpu.pipeline_mode<synchronous>, transform_indices = @transform_6, window_bounds = array<i64: 128, 128>}, {transform_indices = @transform_7, window_bounds = array<i64: 1000, 128>}]} {
    %get3A = arith.constant 0 : index
    %get3A_0 = arith.constant 0 : index
    %get3A_1 = arith.constant 0 : index
    %get3A_2 = vector.load %arg4[%get3A, %get3A_0, %get3A_1] : memref<1x1000x16xf32, #tpu.memory_space<vmem>>, vector<1x1000x16xf32>
    %get3A_3 = vector.shape_cast %get3A_2 : vector<1x1000x16xf32> to vector<1000x16xf32>
    %slice3A = vector.extract_strided_slice %get3A_3 {offsets = [0, 0], sizes = [1000, 1], strides = [1, 1]} : vector<1000x16xf32> to vector<1000x1xf32>
    %get3A_4 = arith.constant 0 : index
    %get3A_5 = arith.constant 0 : index
    %get3A_6 = arith.constant 0 : index
    %get3A_7 = vector.load %arg5[%get3A_4, %get3A_5, %get3A_6] : memref<1x1000x16xf32, #tpu.memory_space<vmem>>, vector<1x1000x16xf32>
    %get3A_8 = vector.shape_cast %get3A_7 : vector<1x1000x16xf32> to vector<1000x16xf32>
    %slice3A_9 = vector.extract_strided_slice %get3A_8 {offsets = [0, 0], sizes = [1000, 1], strides = [1, 1]} : vector<1000x16xf32> to vector<1000x1xf32>
    %add3A = arith.addf %slice3A, %slice3A_9 : vector<1000x1xf32>
    %add3A_10 = arith.constant 1.000000e+00 : f32
    %add3A_11 = vector.broadcast %add3A_10 : f32 to vector<1000x1xf32>
    %add3A_12 = arith.addf %add3A, %add3A_11 : vector<1000x1xf32>
    %rsqrt3A = math.rsqrt %add3A_12 : vector<1000x1xf32>
    %get3A_13 = arith.constant 0 : index
    %get3A_14 = arith.constant 0 : index
    %get3A_15 = arith.constant 0 : index
    %get3A_16 = vector.load %arg1[%get3A_13, %get3A_14, %get3A_15] : memref<1x1000x128xf32, #tpu.memory_space<vmem>>, vector<1x1000x128xf32>
    %get3A_17 = vector.shape_cast %get3A_16 : vector<1x1000x128xf32> to vector<1000x128xf32>
    %get3A_18 = arith.constant 0 : index
    %get3A_19 = arith.constant 0 : index
    %get3A_20 = arith.constant 0 : index
    %get3A_21 = vector.load %arg2[%get3A_18, %get3A_19, %get3A_20] : memref<1x1000x128xf32, #tpu.memory_space<vmem>>, vector<1x1000x128xf32>
    %get3A_22 = vector.shape_cast %get3A_21 : vector<1x1000x128xf32> to vector<1000x128xf32>
    %add3A_23 = arith.addf %get3A_17, %get3A_22 : vector<1000x128xf32>
    %get3A_24 = arith.constant 0 : index
    %get3A_25 = arith.constant 0 : index
    %get3A_26 = vector.load %arg3[%get3A_24, %get3A_25] : memref<1000x128xf32, #tpu.memory_space<vmem>>, vector<1000x128xf32>
    %add3A_27 = arith.addf %add3A_23, %get3A_26 : vector<1000x128xf32>
    %mul3A = vector.broadcast %rsqrt3A : vector<1000x1xf32> to vector<1000x128xf32>
    %mul3A_28 = arith.mulf %mul3A, %add3A_27 : vector<1000x128xf32>
    %get3A_29 = arith.constant 0 : index
    %get3A_30 = arith.constant 0 : index
    %get3A_31 = vector.load %arg6[%get3A_29, %get3A_30] : memref<1x128xf32, #tpu.memory_space<vmem>>, vector<1x128xf32>
    %add3A_32 = vector.broadcast %get3A_31 : vector<1x128xf32> to vector<1000x128xf32>
    %add3A_33 = arith.addf %mul3A_28, %add3A_32 : vector<1000x128xf32>
    %max3A = arith.constant 0.000000e+00 : f32
    %max3A_34 = vector.broadcast %max3A : f32 to vector<1000x128xf32>
    %max3A_35 = arith.maximumf %add3A_33, %max3A_34 : vector<1000x128xf32>
    %get3A_36 = arith.constant 0 : index
    %get3A_37 = arith.constant 0 : index
    %get3A_38 = vector.load %arg7[%get3A_36, %get3A_37] : memref<128x128xf32, #tpu.memory_space<vmem>>, vector<128x128xf32>
    %dot_general3A = arith.constant dense<0.000000e+00> : vector<1000x128xf32>
    %dot_general3A_39 = tpu.matmul %max3A_35, %get3A_38, %dot_general3A {dimension_numbers = #tpu.dot_dimension_numbers<[1], [0], [0], [1], [0, 0, 1, 1], [], []>, transpose_lhs_hint = false} : vector<1000x128xf32>, vector<128x128xf32>, vector<1000x128xf32> -> vector<1000x128xf32>
    %mul3A_40 = vector.broadcast %rsqrt3A : vector<1000x1xf32> to vector<1000x128xf32>
    %mul3A_41 = arith.mulf %dot_general3A_39, %mul3A_40 : vector<1000x128xf32>
    %swap3A = arith.constant 0 : index
    %swap3A_42 = arith.constant 0 : index
    %swap3A_43 = vector.load %arg8[%swap3A, %swap3A_42] : memref<1000x128xf32, #tpu.memory_space<vmem>>, vector<1000x128xf32>
    tpu.vector_store %arg8[%swap3A, %swap3A_42], %mul3A_41 {strides = array<i32>} : memref<1000x128xf32, #tpu.memory_space<vmem>>, vector<1000x128xf32>,
    return
  }
  func.func @transform_0(%arg0: i32) -> (i32, i32, i32) {
    %c0_i32 = arith.constant 0 : i32
    %c0_i32_0 = arith.constant 0 : i32
    %c0_i32_1 = arith.constant 0 : i32
    return %c0_i32, %arg0, %c0_i32_0 : i32, i32, i32
  }
  func.func @transform_1(%arg0: i32) -> (i32, i32, i32) {
    %c1_i32 = arith.constant 1 : i32
    %c0_i32 = arith.constant 0 : i32
    %c0_i32_0 = arith.constant 0 : i32
    return %c1_i32, %arg0, %c0_i32 : i32, i32, i32
  }
  func.func @transform_2(%arg0: i32) -> (i32, i32) {
    %c0_i32 = arith.constant 0 : i32
    %c0_i32_0 = arith.constant 0 : i32
    return %arg0, %c0_i32 : i32, i32
  }
  func.func @transform_3(%arg0: i32) -> (i32, i32, i32) {
    %c0_i32 = arith.constant 0 : i32
    %c0_i32_0 = arith.constant 0 : i32
    %c0_i32_1 = arith.constant 0 : i32
    return %c0_i32, %arg0, %c0_i32_0 : i32, i32, i32
  }
  func.func @transform_4(%arg0: i32) -> (i32, i32, i32) {
    %c1_i32 = arith.constant 1 : i32
    %c0_i32 = arith.constant 0 : i32
    %c0_i32_0 = arith.constant 0 : i32
    return %c1_i32, %arg0, %c0_i32 : i32, i32, i32
  }
  func.func @transform_5(%arg0: i32) -> (i32, i32) {
    %c0_i32 = arith.constant 0 : i32
    %c0_i32_0 = arith.constant 0 : i32
    %c0_i32_1 = arith.constant 0 : i32
    return %c0_i32, %c0_i32_0 : i32, i32
  }
  func.func @transform_6(%arg0: i32) -> (i32, i32) {
    %c0_i32 = arith.constant 0 : i32
    %c0_i32_0 = arith.constant 0 : i32
    %c0_i32_1 = arith.constant 0 : i32
    return %c0_i32, %c0_i32_0 : i32, i32
  }
  func.func @transform_7(%arg0: i32) -> (i32, i32) {
    %c0_i32 = arith.constant 0 : i32
    %c0_i32_0 = arith.constant 0 : i32
    return %arg0, %c0_i32 : i32, i32
  }
}

module attributes {stable_mosaic.version = 14 : i64} {
  func.func @body(%arg0: i32, %arg1: memref<1x1000x128xf32, #tpu.memory_space<vmem>>, %arg2: memref<1x1000x128xf32, #tpu.memory_space<vmem>>, %arg3: memref<1000x128xf32, #tpu.memory_space<vmem>>, %arg4: memref<1x1000x16xf32, #tpu.memory_space<vmem>>, %arg5: memref<1x1000x16xf32, #tpu.memory_space<vmem>>, %arg6: memref<1x128xf32, #tpu.memory_space<vmem>>, %arg7: memref<1000x128xf32, #tpu.memory_space<vmem>>) attributes {dimension_semantics = [#tpu.dimension_semantics<arbitrary>], iteration_bounds = array<i64: 10>, scalar_prefetch = 0 : i64, scratch_operands = 0 : i64, tpu.core_type = #tpu.core_type<tc>, window_params = [{transform_indices = @transform_0, window_bounds = array<i64: 1, 1000, 128>}, {transform_indices = @transform_1, window_bounds = array<i64: 1, 1000, 128>}, {transform_indices = @transform_2, window_bounds = array<i64: 1000, 128>}, {transform_indices = @transform_3, window_bounds = array<i64: 1, 1000, 16>}, {transform_indices = @transform_4, window_bounds = array<i64: 1, 1000, 16>}, {pipeline_mode = #tpu.pipeline_mode<synchronous>, transform_indices = @transform_5, window_bounds = array<i64: 1, 128>}, {transform_indices = @transform_6, window_bounds = array<i64: 1000, 128>}]} {
    %get3A = arith.constant 0 : index
    %get3A_0 = arith.constant 0 : index
    %get3A_1 = arith.constant 0 : index
    %get3A_2 = vector.load %arg4[%get3A, %get3A_0, %get3A_1] : memref<1x1000x16xf32, #tpu.memory_space<vmem>>, vector<1x1000x16xf32>
    %get3A_3 = vector.shape_cast %get3A_2 : vector<1x1000x16xf32> to vector<1000x16xf32>
    %slice3A = vector.extract_strided_slice %get3A_3 {offsets = [0, 0], sizes = [1000, 1], strides = [1, 1]} : vector<1000x16xf32> to vector<1000x1xf32>
    %get3A_4 = arith.constant 0 : index
    %get3A_5 = arith.constant 0 : index
    %get3A_6 = arith.constant 0 : index
    %get3A_7 = vector.load %arg5[%get3A_4, %get3A_5, %get3A_6] : memref<1x1000x16xf32, #tpu.memory_space<vmem>>, vector<1x1000x16xf32>
    %get3A_8 = vector.shape_cast %get3A_7 : vector<1x1000x16xf32> to vector<1000x16xf32>
    %slice3A_9 = vector.extract_strided_slice %get3A_8 {offsets = [0, 0], sizes = [1000, 1], strides = [1, 1]} : vector<1000x16xf32> to vector<1000x1xf32>
    %add3A = arith.addf %slice3A, %slice3A_9 : vector<1000x1xf32>
    %add3A_10 = arith.constant 1.000000e+00 : f32
    %add3A_11 = vector.broadcast %add3A_10 : f32 to vector<1000x1xf32>
    %add3A_12 = arith.addf %add3A, %add3A_11 : vector<1000x1xf32>
    %rsqrt3A = math.rsqrt %add3A_12 : vector<1000x1xf32>
    %get3A_13 = arith.constant 0 : index
    %get3A_14 = arith.constant 0 : index
    %get3A_15 = arith.constant 0 : index
    %get3A_16 = vector.load %arg1[%get3A_13, %get3A_14, %get3A_15] : memref<1x1000x128xf32, #tpu.memory_space<vmem>>, vector<1x1000x128xf32>
    %get3A_17 = vector.shape_cast %get3A_16 : vector<1x1000x128xf32> to vector<1000x128xf32>
    %get3A_18 = arith.constant 0 : index
    %get3A_19 = arith.constant 0 : index
    %get3A_20 = arith.constant 0 : index
    %get3A_21 = vector.load %arg2[%get3A_18, %get3A_19, %get3A_20] : memref<1x1000x128xf32, #tpu.memory_space<vmem>>, vector<1x1000x128xf32>
    %get3A_22 = vector.shape_cast %get3A_21 : vector<1x1000x128xf32> to vector<1000x128xf32>
    %add3A_23 = arith.addf %get3A_17, %get3A_22 : vector<1000x128xf32>
    %get3A_24 = arith.constant 0 : index
    %get3A_25 = arith.constant 0 : index
    %get3A_26 = vector.load %arg3[%get3A_24, %get3A_25] : memref<1000x128xf32, #tpu.memory_space<vmem>>, vector<1000x128xf32>
    %add3A_27 = arith.addf %add3A_23, %get3A_26 : vector<1000x128xf32>
    %mul3A = vector.broadcast %rsqrt3A : vector<1000x1xf32> to vector<1000x128xf32>
    %mul3A_28 = arith.mulf %mul3A, %add3A_27 : vector<1000x128xf32>
    %get3A_29 = arith.constant 0 : index
    %get3A_30 = arith.constant 0 : index
    %get3A_31 = vector.load %arg6[%get3A_29, %get3A_30] : memref<1x128xf32, #tpu.memory_space<vmem>>, vector<1x128xf32>
    %add3A_32 = vector.broadcast %get3A_31 : vector<1x128xf32> to vector<1000x128xf32>
    %add3A_33 = arith.addf %mul3A_28, %add3A_32 : vector<1000x128xf32>
    %max3A = arith.constant 0.000000e+00 : f32
    %max3A_34 = vector.broadcast %max3A : f32 to vector<1000x128xf32>
    %max3A_35 = arith.maximumf %add3A_33, %max3A_34 : vector<1000x128xf32>
    %swap3A = arith.constant 0 : index
    %swap3A_36 = arith.constant 0 : index
    %swap3A_37 = vector.load %arg7[%swap3A, %swap3A_36] : memref<1000x128xf32, #tpu.memory_space<vmem>>, vector<1000x128xf32>
    tpu.vector_store %arg7[%swap3A, %swap3A_36], %max3A_35 {strides = array<i32>} : memref<1000x128xf32, #tpu.memory_space<vmem>>, vector<1000x128xf32>,
    return
  }
  func.func @transform_0(%arg0: i32) -> (i32, i32, i32) {
    %c0_i32 = arith.constant 0 : i32
    %c0_i32_0 = arith.constant 0 : i32
    %c0_i32_1 = arith.constant 0 : i32
    return %c0_i32, %arg0, %c0_i32_0 : i32, i32, i32
  }
  func.func @transform_1(%arg0: i32) -> (i32, i32, i32) {
    %c1_i32 = arith.constant 1 : i32
    %c0_i32 = arith.constant 0 : i32
    %c0_i32_0 = arith.constant 0 : i32
    return %c1_i32, %arg0, %c0_i32 : i32, i32, i32
  }
  func.func @transform_2(%arg0: i32) -> (i32, i32) {
    %c0_i32 = arith.constant 0 : i32
    %c0_i32_0 = arith.constant 0 : i32
    return %arg0, %c0_i32 : i32, i32
  }
  func.func @transform_3(%arg0: i32) -> (i32, i32, i32) {
    %c0_i32 = arith.constant 0 : i32
    %c0_i32_0 = arith.constant 0 : i32
    %c0_i32_1 = arith.constant 0 : i32
    return %c0_i32, %arg0, %c0_i32_0 : i32, i32, i32
  }
  func.func @transform_4(%arg0: i32) -> (i32, i32, i32) {
    %c1_i32 = arith.constant 1 : i32
    %c0_i32 = arith.constant 0 : i32
    %c0_i32_0 = arith.constant 0 : i32
    return %c1_i32, %arg0, %c0_i32 : i32, i32, i32
  }
  func.func @transform_5(%arg0: i32) -> (i32, i32) {
    %c0_i32 = arith.constant 0 : i32
    %c0_i32_0 = arith.constant 0 : i32
    %c0_i32_1 = arith.constant 0 : i32
    return %c0_i32, %c0_i32_0 : i32, i32
  }
  func.func @transform_6(%arg0: i32) -> (i32, i32) {
    %c0_i32 = arith.constant 0 : i32
    %c0_i32_0 = arith.constant 0 : i32
    return %arg0, %c0_i32 : i32, i32
  }
}

</mosaic_0001>

<sc_bundles>
// kernel: kernel.11.cloned.1.call-start
scs
__scs_entry_jumppad:
0x0: {  	(pc) =	sbr.rel $0x88, $3  }
0x1: {  	(tag) =	ssettag $0x0;
	lr =	simm.s32 $0x1  }
0x2: {  	[smem:$0x3F9B] =	sst lr;
	_ =	strace $0xD0000000  }
0x3: {  	_ = 	snop  }
0x4: {  	_ = 	snop  }
0x5: {  	_ = 	snop  }
0x6: {  	_ = 	snop  }
0x7: {  	_ = 	snop  }
__scs_overlays_trampoline_lowered:
0x8: {  	[smem:$0x3FAA] =	sst s0  }
0x9: {  	[smem:$0x3FAB] =	sst s1  }
0xa: {  	[smem:$0x3FAC] =	sst s2  }
0xb: {  	[smem:$0x3FAD] =	sst s3  }
0xc: {  	[smem:$0x3FAE] =	sst s4  }
0xd: {  	[smem:$0x3FAF] =	sst s5  }
0xe: {  	[smem:$0x3FB0] =	sst s6  }
0xf: {  	[smem:$0x3FB1] =	sst s7  }
0x10: {  	[smem:$0x3FB2] =	sst s8  }
0x11: {  	[smem:$0x3FB3] =	sst s9;
	s0 =	simm.s32 @!p0 $0x0  }
0x12: {  	s1 =	sld [smem:$0x3F99];
	s0 =	simm.s32 @p0 $0x1  }
0x13: {  	[smem:$0x3FB4] =	sst s0;
	s0 =	simm.s32 @!p1 $0x0  }
0x14: {  	s2 =	sld [smem:$0x3F98];
	s0 =	simm.s32 @p1 $0x1  }
0x15: {  	[smem:$0x3FB5] =	sst s0;
	s0 =	simm.s32 @!p2 $0x0  }
0x16: {  	s3 =	sld [smem:$0x3FDB];
	s0 =	simm.s32 @p2 $0x1  }
0x17: {  	s4 =	simm.s32 $0x1BF5;
	[smem:$0x3FB7] =	sst s0  }
0x18: {  	s0 =	sld [smem:$0x3F9A];
	_ =	swait.ge [sflag:s4], $0x0  }
0x19: {  	s7 =	sld [smem:$0x3F9B]  }
0x1a: {  	s8 =	sadd.s32 $0xFFFFE003, lr  }
0x1b: {  	s9 =	sadd.s32 $0xFFFFFEF7, lr;
	s5 =	simm.s32 $0xFFFFFFFF;
	p2 =	slt.u32 s8, $0xFFFFF086  }
0x1c: {  	p1 =	slt.u32 s9, $0xF7A;
	s5 =	simm.s32 @!p2 $0x0  }
0x1d: {  	s5 =	simm.s32 @p1 $0x1;
	p0 =	seq.s32 s7, s2  }
0x1e: {  	s7 =	smul.u32 @!p0 $0xF7A, s2;
	p2 =	seq.s32 @!p0 s5, $0x0  }
0x1f: {  	s9 =	smul.u32 $0xF7A, s1;
	s8 =	simm.s32 @!p0 $0x1BF5;
	p2 =	por !p2, p0  }
0x20: {  	[sflag:s8] =	ssyncset.s32 @!p0 $0xFFFFF086;
	s6 =	sadd.s32 @!p0 s3, s7;
	s7 =	simm.s32 @!p0 $0x108  }
0x21: {  	s3 =	sadd.s32 s3, s9;
	s6 =	sadd.s32 @!p0 $0x88, s6;
	s7 =	simm.s32 @p2 $0x1082  }
0x22: {  	[simem:s7], [sflag:s8] =	dma.local @!p0 [hbm:s6], $0xF7A  }
0x23: {  	s9 =	sor.u32 $0xD0000000, s2;
	s6 =	simm.s32 $0x108;
	_ =	swait.ge @!p0 [sflag:s8], $0x0  }
0x24: {  	s3 =	sadd.s32 $0x88, s3;
	s6 =	simm.s32 @!p1 $0x1082;
	[sflag:s4] =	ssyncset.s32 $0xFFFFF086  }
0x25: {  	[simem:s6], [sflag:s4] =	dma.local [hbm:s3], $0xF7A  }
0x26: {  	[smem:$0x3F9B] =	sst s1;
	(tag) =	ssettag s2;
	_ =	strace s9  }
0x27: {  	s1 =	sld [smem:$0x3FAB]  }
0x28: {  	s2 =	sld [smem:$0x3FAC]  }
0x29: {  	s4 =	sld [smem:$0x3FAE]  }
0x2a: {  	p0 =	seq.s32 s5, $0x0;
	s5 =	sld [smem:$0x3FAF]  }
0x2b: {  	s6 =	sld [smem:$0x3FB0]  }
0x2c: {  	s7 =	sld [smem:$0x3FB1]  }
0x2d: {  	s3 =	simm.s32 $0x108;
	s8 =	sld [smem:$0x3FB2]  }
0x2e: {  	s3 =	simm.s32 @!p0 $0x1082;
	s9 =	sld [smem:$0x3FB3]  }
0x2f: {  	lr =	sadd.s32 s0, s3;
	s0 =	sld [smem:$0x3FAA]  }
0x30: {  	s3 =	sld [smem:$0x3FAD]  }
0x31: {  	[smem:$0x3FB6] =	sst s10  }
0x32: {  	s10 =	sld [smem:$0x3FB4];
	_ =	sdelay $0x3  }
0x33: {  	p0 =	seq.s32 s10, $0x1;
	s10 =	sld [smem:$0x3FB6];
	_ =	sdelay $0x3  }
0x34: {  	[smem:$0x3FB6] =	sst s10  }
0x35: {  	s10 =	sld [smem:$0x3FB5];
	_ =	sdelay $0x3  }
0x36: {  	p1 =	seq.s32 s10, $0x1;
	s10 =	sld [smem:$0x3FB6];
	_ =	sdelay $0x3  }
0x37: {  	[smem:$0x3FB6] =	sst s10  }
0x38: {  	s10 =	sld [smem:$0x3FB7]  }
0x39: {  	_ = 	snop;
	(pc) =	sbr.ind lr, $3  }
0x3a: {  	_ = 	snop  }
0x3b: {  	_ = 	snop  }
0x3c: {  	p2 =	seq.s32 s10, $0x1;
	s10 =	sld [smem:$0x3FB6]  }
0x3d: {  	_ =	shalt  }
0x3e: {  	_ =	shalt  }
0x3f: {  	_ =	shalt  }
0x40: {  	_ =	shalt  }
0x41: {  	_ =	shalt  }
0x42: {  	_ =	shalt  }
0x43: {  	_ =	shalt  }
0x44: {  	_ =	shalt  }
0x45: {  	_ =	shalt  }
0x46: {  	_ =	shalt  }
0x47: {  	_ =	shalt  }
0x48: {  	_ =	shalt  }
0x49: {  	_ =	shalt  }
0x4a: {  	_ =	shalt  }
0x4b: {  	_ =	shalt  }
0x4c: {  	_ =	shalt  }
0x4d: {  	_ =	shalt  }
0x4e: {  	_ =	shalt  }
0x4f: {  	_ =	shalt  }
0x50: {  	_ =	shalt  }
0x51: {  	_ =	shalt  }
0x52: {  	_ =	shalt  }
0x53: {  	_ =	shalt  }
0x54: {  	_ =	shalt  }
0x55: {  	_ =	shalt  }
0x56: {  	_ =	shalt  }
0x57: {  	_ =	shalt  }
0x58: {  	_ =	shalt  }
0x59: {  	_ =	shalt  }
0x5a: {  	_ =	shalt  }
0x5b: {  	_ =	shalt  }
0x5c: {  	_ =	shalt  }
0x5d: {  	_ =	shalt  }
0x5e: {  	_ =	shalt  }
0x5f: {  	_ =	shalt  }
0x60: {  	_ =	shalt  }
0x61: {  	_ =	shalt  }
0x62: {  	_ =	shalt  }
0x63: {  	_ =	shalt  }
0x64: {  	_ =	shalt  }
0x65: {  	_ =	shalt  }
0x66: {  	_ =	shalt  }
0x67: {  	_ =	shalt  }
0x68: {  	_ =	shalt  }
0x69: {  	_ =	shalt  }
0x6a: {  	_ =	shalt  }
0x6b: {  	_ =	shalt  }
0x6c: {  	_ =	shalt  }
0x6d: {  	_ =	shalt  }
0x6e: {  	_ =	shalt  }
0x6f: {  	_ =	shalt  }
0x70: {  	_ =	shalt  }
0x71: {  	_ =	shalt  }
0x72: {  	_ =	shalt  }
0x73: {  	_ =	shalt  }
0x74: {  	_ =	shalt  }
0x75: {  	_ =	shalt  }
0x76: {  	_ =	shalt  }
0x77: {  	_ =	shalt  }
0x78: {  	_ =	shalt  }
0x79: {  	_ =	shalt  }
0x7a: {  	_ =	shalt  }
0x7b: {  	_ =	shalt  }
0x7c: {  	_ =	shalt  }
0x7d: {  	_ =	shalt  }
0x7e: {  	_ =	shalt  }
0x7f: {  	_ =	shalt  }
0x80: {  	_ =	shalt  }
0x81: {  	_ =	shalt  }
0x82: {  	_ =	shalt  }
0x83: {  	_ =	shalt  }
0x84: {  	_ =	shalt  }
0x85: {  	_ =	shalt  }
0x86: {  	_ =	shalt  }
0x87: {  	_ =	shalt  }
.Lfunc_end0:
.L_simem_size_0:
called_computation.1_lowered:
.L_overlay_start_0:
0x88: {  	s2 =	sld [smem:$0x3FD9]  }
0x89: {  	s3 =	sld [smem:$0x3FFE];
	_ =	sdelay $0x1  }
0x8a: {  	s1 =	srdreg.scid  }
0x8b: {  	s0 =	sand.u32 $0x1, s1  }
0x8c: {  	s17 =	sshll.u32 s0, $0xA;
	s2 =	sadd.s32 s3, s2  }
0x8d: {  	s2 =	sadd.s32 s2, s17  }
0x8e: {  	[smem:$0x3FC2] =	sst s2  }
0x8f: {  	_ = 	snop  }
0x90: {  	s2 =	sld [smem:$0x3FD0];
	(tm) =	ssettm $0x1  }
0x91: {  	s18 =	sld [smem:$0x3FFB];
	_ =	sdelay $0x3  }
0x92: {  	_ =	strace s18  }
0x93: {  	s3 =	sld [smem:$0x3FFC];
	_ =	sdelay $0x3  }
0x94: {  	_ =	strace s3  }
0x95: {  	s3 =	sld [smem:$0x3FFD];
	_ =	sdelay $0x3  }
0x96: {  	_ =	strace s3  }
0x97: {  	_ =	strace $0x8FFFFFFF  }
0x98: {  	s19 =	sld [smem:$0x3FDB];
	_ =	sdelay $0x1  }
0x99: {  	s4 =	simm.s32 $_scs_section_size  }
0x9a: {  	s5 =	simm.s32 $_size__tile_overlayer_lowered;
	s6 =	simm.s32 $_tile_overlayer_lowered  }
0x9b: {  	s22 =	simm.s32 $0x1BFF;
	s21 =	sshll.u32 s6, $0x1;
	s3 =	sadd.s32 s4, s19  }
0x9c: {  	s7 =	simm.s32 $0x0;
	s20 =	sshll.u32 s5, $0x1;
	s5 =	sadd.s32 s21, s3  }
0x9d: {  	[timem:s7], [sflag:s22] =	dma.local [hbm:s5], s20  }
0x9e: {  	_ =	swait.ge [sflag:s22], s20  }
0x9f: {  	s4 =	ssub.s32 $0x0, s20;
	[sflag:s22] =	ssyncset.done $0x0  }
0xa0: {  	[sflag:s22] =	ssyncadd.s32 s4;
	_ =	sdelay $0x1  }
0xa1: {  	s23 =	simm.s32 $0x1B8B  }
0xa2: {  	_ =	swait.ge [sflag:s23], $0x1  }
0xa3: {  	[sflag:s23] =	ssyncset.done $0x0  }
0xa4: {  	s25 =	simm.s32 $0x1B8E;
	s24 =	sld [smem:$0x3FFE];
	[sflag:s23] =	ssyncadd.s32 $0xFFFFFFFF  }
0xa5: {  	s26 =	simm.s32 $execute0_lowered;
	[smem:$0x3FD2] =	sst s25  }
0xa6: {  	s5 =	sshll.u32 s26, $0x1;
	_ =	strace $0x80000049;
	[dreg:$0x1] =	wrdreg $0xFFFFFFFF  }
0xa7: {  	s28 =	simm.s32 $_size_execute0_lowered;
	s3 =	sadd.s32 s3, s5;
	[dreg:$0x0] =	wrdreg $0x0  }
0xa8: {  	s5 =	sshll.u32 s28, $0x1;
	[dreg:$0x2] =	wrdreg s3  }
0xa9: {  	[dreg:$0x3] =	wrdreg s5  }
0xaa: {  	[dreg:$0x4] =	wrdreg $0xC0  }
0xab: {  	_ =	task [dreg:s7], $0x5FFFF  }
0xac: {  	[dreg:$0x1] =	wrdreg $0xFFFFFFFF  }
0xad: {  	[dreg:$0x0] =	wrdreg $0x60  }
0xae: {  	[dreg:$0x2] =	wrdreg s2  }
0xaf: {  	[dreg:$0x3] =	wrdreg s24  }
0xb0: {  	[dreg:$0x4] =	wrdreg $0xBEC00  }
0xb1: {  	[dreg:$0x5] =	wrdreg $0x9  }
0xb2: {  	_ =	task.clear_ibuf [dreg:s7], $0x6FFFF;
	_ =	strace $0x90000049  }
0xb3: {  	s29 =	simm.s32 $0x9;
	_ =	strace $0x8000004B  }
0xb4: {  	_ =	swait.ge [sflag:s29], $0x1  }
0xb5: {  	[sflag:s29] =	ssyncadd.s32 $0xFFFFFFFF  }
0xb6: {  	_ =	strace $0x9000004B  }
0xb7: {  	_ =	sfence  }
0xb8: {  	s30 =	sld [smem:$0x0];
	_ =	sdelay $0x2  }
0xb9: {  	s31 =	sshll.u32 s1, $0xD;
	s1 =	sshrl.u32 s1, $0x2  }
0xba: {  	s3 =	sand.u32 $0x4000, s31;
	s1 =	sadd.s32 s1, s30  }
0xbb: {  	s0 =	sor.u32 s3, s0;
	s1 =	sshll.u32 s1, $0x11  }
0xbc: {  	s0 =	sor.u32 s1, s0  }
0xbd: {  	s0 =	sadd.s32 $0x8F2B, s0  }
0xbe: {  	[sflag:s0] =	ssyncadd.remote.s32 $0x1  }
0xbf: {  	_ =	sfence.sel $0xFFFF  }
0xc0: {  	[dreg:$0x0] =	wrdreg $0xFFFFFFFF;
	(pc) =	sbr.abs _section_cstart, $3  }
0xc1: {  	[dreg:$0x1] =	wrdreg $0xFFFFFFFF  }
0xc2: {  	_ =	task.clear_ibuf [dreg:s7], $0x2FFFF;
	_ =	strace $0x9FFFFFFF  }
0xc3: {  	(tm) =	ssettm $0x7FFFFFFF  }
tec
execute0_lowered:
.L_overlay_start_1:
0x0: {  	(tag) =	ssettag $0x1  }
0x1: {  	s1 =	rddreg [dreg:$0x0]  }
0x2: {  	s0 =	srdreg.scid;
	s5 =	rddreg [dreg:$0x1]  }
0x3: {  	s11 =	stileid.u32;
	s3 =	rddreg [dreg:$0x2]  }
0x4: {  	s4 =	simm.s32 $0x0;
	s12 =	simm.s32 $0x9;
	s13 =	simm.s32 $0x2760  }
0x5: {  	s14 =	simm.s32 $0x38;
	s15 =	simm.s32 $0x4EC0;
	s16 =	simm.s32 $0x6AC0  }
0x6: {  	s18 =	simm.s32 $0x86C0;
	s19 =	simm.s32 $0x1;
	s21 =	simm.s32 $0xA2C0  }
0x7: {  	s22 =	simm.s32 $0x2;
	s24 =	simm.s32 $0x5;
	s26 =	simm.s32 $0x3  }
0x8: {  	s29 =	simm.s32 $0x6;
	s31 =	simm.s32 $0x4;
	s17 =	simm.s32 $0x8  }
0x9: {  	s20 =	simm.s32 $0x26F0;
	s23 =	simm.s32 $0x4E50;
	s25 =	simm.s32 $0x0  }
0xa: {  	s0 =	sand.u32 $0x1, s0;
	s2 =	sshll.u32 s11, $0x1;
	s6 =	smul.u32 $0x13C00, s11  }
0xb: {  	[smem:$0x7FF] =	sst s4;
	s28 =	sshll.u32 s11, $0x6;
	s2 =	sor.u32 s0, s2  }
0xc: {  	s7 =	smul.u32 $0x13C000, s0;
	_ =	strace $0x8000004A;
	s0 =	ssub.s32 $0x2, s0  }
0xd: {  	s2 =	smul.u32 $0x4EC, s2;
	s8 =	sshrl.u32 s6, $0x3;
	s9 =	sshrl.u32 s0, $0x1  }
0xe: {  	s30 =	sadd.s32 s6, s3;
	s7 =	sadd.s32 s6, s7;
	s8 =	sadd.s32 s8, s5  }
0xf: {  	s0 =	ssub.s32 s0, s9;
	s6 =	sor.u32 $0x1C09, s28;
	s7 =	sshrl.u32 s7, $0x3  }
0x10: {  	s11 =	sshrl.u32 s30, $0x3;
	s2 =	sadd.s32 s2, s5;
	s10 =	sadd.s32 s7, s5  }
0x11: {  	s5 =	sadd.s32 $0x65C00, s8;
	s7 =	sadd.s32 $0xCE00, s2;
	s8 =	sadd.s32 $0x3000, s2  }
0x12: {  	s9 =	sadd.s32 $0x8D400, s10;
	s10 =	smax.u32 s0, $0x1;
	s0 =	simm.s32 $0x7  }
.LBB2_1:
0x13: {  	[spmem:s11], [sflag:s6] =	dma.local [hbm:s5], $0x2780  }
0x14: {  	_ =	swait.ge [sflag:s12], $0x2780  }
0x15: {  	[sflag:s12] =	ssyncset.done $0x0  }
0x16: {  	[sflag:s12] =	ssyncadd.s32 $0xFFFFD880  }
0x17: {  	[tilespmem:s4], [sflag:$0x9] =	stream.linear.gather [hbm4b:s7+s4], $0x2760, $0x38;
	[tilespmem:$0x1FAC0] =	vst v63  }
0x18: {  	_ =	swait.ge [sflag:s12], $0x2760  }
0x19: {  	[sflag:s12] =	ssyncset.done $0x0  }
0x1a: {  	[sflag:s12] =	ssyncadd.s32 $0xFFFFD8A0  }
0x1b: {  	[tilespmem:s13], [sflag:$0x9] =	stream.linear.gather [hbm4b:s8+s4], $0x2760, $0x38;
	[tilespmem:$0x1FAC0] =	vst v63  }
0x1c: {  	_ =	swait.ge [sflag:s12], $0x2760  }
0x1d: {  	[sflag:s12] =	ssyncset.done $0x0  }
0x1e: {  	[sflag:s12] =	ssyncadd.s32 $0xFFFFD8A0  }
0x1f: {  	[bflag:$0x0] =	sbarrier.arrive $0xFFFF  }
0x20: {  	[tilespmem:s15], [sflag:$0x1] =	stream.indirect.gather [hbm4b:s1+s14], $0x80, s4, s14, $0xb8;
	[tilespmem:$0x1FAC0] =	vst v63  }
0x21: {  	_ = 	snop  }
0x22: {  	[tilespmem:s16], [sflag:$0x2] =	stream.indirect.gather [hbm4b:s1+s14], $0x80, s14, s14, $0xb8;
	[tilespmem:$0x1FAC0] =	vst v63  }
0x23: {  	s2 =	simm.s32 $0x70  }
0x24: {  	[tilespmem:s18], [sflag:$0x3] =	stream.indirect.gather [hbm4b:s1+s14], $0x80, s2, s14, $0xb8;
	[tilespmem:$0x1FAC0] =	vst v63  }
0x25: {  	_ =	swait.ge [sflag:s19], $0x1C00  }
0x26: {  	[sflag:s19] =	ssyncset.done $0x0  }
0x27: {  	[sflag:s19] =	ssyncadd.s32 $0xFFFFE400  }
0x28: {  	[spmem:s3] =	stream.indirect.scatter.add.f32 [tilespmem:s15], [sflag:$0x5], $0x80, s13, s14, $0xb8;
	[tilespmem:$0x1FAC0] =	vst v63  }
0x29: {  	s2 =	simm.s32 $0xA8  }
0x2a: {  	[tilespmem:s21], [sflag:$0x4] =	stream.indirect.gather [hbm4b:s1+s14], $0x80, s2, s14, $0xb8;
	[tilespmem:$0x1FAC0] =	vst v63  }
0x2b: {  	_ =	swait.ge [sflag:s22], $0x1C00  }
0x2c: {  	[sflag:s22] =	ssyncset.done $0x0  }
0x2d: {  	s2 =	simm.s32 $0x2798;
	[sflag:s22] =	ssyncadd.s32 $0xFFFFE400  }
0x2e: {  	[spmem:s3] =	stream.indirect.scatter.add.f32 [tilespmem:s16], [sflag:$0x6], $0x80, s2, s14, $0xb8;
	[tilespmem:$0x1FAC0] =	vst v63  }
0x2f: {  	_ =	swait.ge [sflag:s24], $0x1C00  }
0x30: {  	[sflag:s24] =	ssyncset.done $0x0  }
0x31: {  	s2 =	simm.s32 $0xE0;
	[sflag:s24] =	ssyncadd.s32 $0xFFFFE400  }
0x32: {  	[tilespmem:s15], [sflag:$0x1] =	stream.indirect.gather [hbm4b:s1+s14], $0x80, s2, s14, $0xb8;
	[tilespmem:$0x1FAC0] =	vst v63  }
0x33: {  	_ =	swait.ge [sflag:s26], $0x1C00  }
0x34: {  	[sflag:s26] =	ssyncset.done $0x0  }
0x35: {  	s2 =	simm.s32 $0x27D0;
	[sflag:s26] =	ssyncadd.s32 $0xFFFFE400  }
0x36: {  	[spmem:s3] =	stream.indirect.scatter.add.f32 [tilespmem:s18], [sflag:$0x7], $0x80, s2, s14, $0xb8;
	[tilespmem:$0x1FAC0] =	vst v63  }
0x37: {  	_ =	swait.ge [sflag:s29], $0x1C00  }
0x38: {  	[sflag:s29] =	ssyncset.done $0x0  }
0x39: {  	s2 =	simm.s32 $0x118;
	[sflag:s29] =	ssyncadd.s32 $0xFFFFE400  }
0x3a: {  	[tilespmem:s16], [sflag:$0x2] =	stream.indirect.gather [hbm4b:s1+s14], $0x80, s2, s14, $0xb8;
	[tilespmem:$0x1FAC0] =	vst v63  }
0x3b: {  	_ =	swait.ge [sflag:s31], $0x1C00  }
0x3c: {  	[sflag:s31] =	ssyncset.done $0x0  }
0x3d: {  	s2 =	simm.s32 $0x2808;
	[sflag:s31] =	ssyncadd.s32 $0xFFFFE400  }
0x3e: {  	[spmem:s3] =	stream.indirect.scatter.add.f32 [tilespmem:s21], [sflag:$0x8], $0x80, s2, s14, $0xb8;
	[tilespmem:$0x1FAC0] =	vst v63  }
0x3f: {  	_ =	swait.ge [sflag:s0], $0x1C00  }
0x40: {  	[sflag:s0] =	ssyncset.done $0x0  }
0x41: {  	s28 =	simm.s32 $0x150;
	[sflag:s0] =	ssyncadd.s32 $0xFFFFE400  }
0x42: {  	[tilespmem:s18], [sflag:$0x3] =	stream.indirect.gather [hbm4b:s1+s14], $0x80, s28, s14, $0xb8;
	[tilespmem:$0x1FAC0] =	vst v63  }
0x43: {  	_ =	swait.ge [sflag:s19], $0x1C00  }
0x44: {  	[sflag:s19] =	ssyncset.done $0x0  }
0x45: {  	s28 =	simm.s32 $0x2840;
	[sflag:s19] =	ssyncadd.s32 $0xFFFFE400  }
0x46: {  	[spmem:s3] =	stream.indirect.scatter.add.f32 [tilespmem:s15], [sflag:$0x5], $0x80, s28, s14, $0xb8;
	[tilespmem:$0x1FAC0] =	vst v63  }
0x47: {  	_ =	swait.ge [sflag:s17], $0x1C00  }
0x48: {  	[sflag:s17] =	ssyncset.done $0x0  }
0x49: {  	s28 =	simm.s32 $0x188;
	[sflag:s17] =	ssyncadd.s32 $0xFFFFE400  }
0x4a: {  	[tilespmem:s21], [sflag:$0x4] =	stream.indirect.gather [hbm4b:s1+s14], $0x80, s28, s14, $0xb8;
	[tilespmem:$0x1FAC0] =	vst v63  }
0x4b: {  	_ =	swait.ge [sflag:s22], $0x1C00  }
0x4c: {  	[sflag:s22] =	ssyncset.done $0x0  }
0x4d: {  	s28 =	simm.s32 $0x2878;
	[sflag:s22] =	ssyncadd.s32 $0xFFFFE400  }
0x4e: {  	[spmem:s3] =	stream.indirect.scatter.add.f32 [tilespmem:s16], [sflag:$0x6], $0x80, s28, s14, $0xb8;
	[tilespmem:$0x1FAC0] =	vst v63  }
0x4f: {  	_ =	swait.ge [sflag:s24], $0x1C00  }
0x50: {  	[sflag:s24] =	ssyncset.done $0x0  }
0x51: {  	s28 =	simm.s32 $0x1C0;
	[sflag:s24] =	ssyncadd.s32 $0xFFFFE400  }
0x52: {  	[tilespmem:s15], [sflag:$0x1] =	stream.indirect.gather [hbm4b:s1+s14], $0x80, s28, s14, $0xb8;
	[tilespmem:$0x1FAC0] =	vst v63  }
0x53: {  	_ =	swait.ge [sflag:s26], $0x1C00  }
0x54: {  	[sflag:s26] =	ssyncset.done $0x0  }
0x55: {  	s28 =	simm.s32 $0x28B0;
	[sflag:s26] =	ssyncadd.s32 $0xFFFFE400  }
0x56: {  	[spmem:s3] =	stream.indirect.scatter.add.f32 [tilespmem:s18], [sflag:$0x7], $0x80, s28, s14, $0xb8;
	[tilespmem:$0x1FAC0] =	vst v63  }
0x57: {  	_ =	swait.ge [sflag:s29], $0x1C00  }
0x58: {  	[sflag:s29] =	ssyncset.done $0x0  }
0x59: {  	s28 =	simm.s32 $0x1F8;
	[sflag:s29] =	ssyncadd.s32 $0xFFFFE400  }
0x5a: {  	[tilespmem:s16], [sflag:$0x2] =	stream.indirect.gather [hbm4b:s1+s14], $0x80, s28, s14, $0xb8;
	[tilespmem:$0x1FAC0] =	vst v63  }
0x5b: {  	_ =	swait.ge [sflag:s31], $0x1C00  }
0x5c: {  	[sflag:s31] =	ssyncset.done $0x0  }
0x5d: {  	s30 =	simm.s32 $0x28E8;
	s28 =	simm.s32 $0x380;
	[sflag:s31] =	ssyncadd.s32 $0xFFFFE400  }
.LBB2_2:
0x5e: {  	[spmem:s3] =	stream.indirect.scatter.add.f32 [tilespmem:s21], [sflag:$0x8], $0x80, s30, s14, $0xb8;
	[tilespmem:$0x1FAC0] =	vst v63  }
0x5f: {  	s30 =	smov.u32 s28;
	s28 =	sadd.s32 $0x380, s28;
	_ =	swait.ge [sflag:s0], $0x1C00  }
0x60: {  	s30 =	sshra.s32 s30, $0x2;
	p0 =	sne.s32 s28, $0x9680;
	[sflag:s0] =	ssyncset.done $0x0  }
0x61: {  	s2 =	sadd.s32 $0x150, s30;
	[sflag:s0] =	ssyncadd.s32 $0xFFFFE400  }
0x62: {  	[tilespmem:s18], [sflag:$0x3] =	stream.indirect.gather [hbm4b:s1+s14], $0x80, s2, s14, $0xb8;
	[tilespmem:$0x1FAC0] =	vst v63  }
0x63: {  	_ =	swait.ge [sflag:s19], $0x1C00  }
0x64: {  	[sflag:s19] =	ssyncset.done $0x0  }
0x65: {  	s2 =	sadd.s32 $0x2840, s30;
	[sflag:s19] =	ssyncadd.s32 $0xFFFFE400  }
0x66: {  	[spmem:s3] =	stream.indirect.scatter.add.f32 [tilespmem:s15], [sflag:$0x5], $0x80, s2, s14, $0xb8;
	[tilespmem:$0x1FAC0] =	vst v63  }
0x67: {  	_ =	swait.ge [sflag:s17], $0x1C00  }
0x68: {  	[sflag:s17] =	ssyncset.done $0x0  }
0x69: {  	s2 =	sadd.s32 $0x188, s30;
	[sflag:s17] =	ssyncadd.s32 $0xFFFFE400  }
0x6a: {  	[tilespmem:s21], [sflag:$0x4] =	stream.indirect.gather [hbm4b:s1+s14], $0x80, s2, s14, $0xb8;
	[tilespmem:$0x1FAC0] =	vst v63  }
0x6b: {  	_ =	swait.ge [sflag:s22], $0x1C00  }
0x6c: {  	[sflag:s22] =	ssyncset.done $0x0  }
0x6d: {  	s2 =	sadd.s32 $0x2878, s30;
	[sflag:s22] =	ssyncadd.s32 $0xFFFFE400  }
0x6e: {  	[spmem:s3] =	stream.indirect.scatter.add.f32 [tilespmem:s16], [sflag:$0x6], $0x80, s2, s14, $0xb8;
	[tilespmem:$0x1FAC0] =	vst v63  }
0x6f: {  	_ =	swait.ge [sflag:s24], $0x1C00  }
0x70: {  	[sflag:s24] =	ssyncset.done $0x0  }
0x71: {  	s2 =	sadd.s32 $0x1C0, s30;
	[sflag:s24] =	ssyncadd.s32 $0xFFFFE400  }
0x72: {  	[tilespmem:s15], [sflag:$0x1] =	stream.indirect.gather [hbm4b:s1+s14], $0x80, s2, s14, $0xb8;
	[tilespmem:$0x1FAC0] =	vst v63  }
0x73: {  	_ =	swait.ge [sflag:s26], $0x1C00  }
0x74: {  	[sflag:s26] =	ssyncset.done $0x0  }
0x75: {  	s2 =	sadd.s32 $0x28B0, s30;
	[sflag:s26] =	ssyncadd.s32 $0xFFFFE400  }
0x76: {  	[spmem:s3] =	stream.indirect.scatter.add.f32 [tilespmem:s18], [sflag:$0x7], $0x80, s2, s14, $0xb8;
	[tilespmem:$0x1FAC0] =	vst v63  }
0x77: {  	_ =	swait.ge [sflag:s29], $0x1C00  }
0x78: {  	[sflag:s29] =	ssyncset.done $0x0  }
.Ltmp0:
0x79: {  	s2 =	sadd.s32 $0x1F8, s30;
	[sflag:s29] =	ssyncadd.s32 $0xFFFFE400;
	(pc) =	sbr.rel @p0 .LBB2_2-.Ltmp0, $4  }
0x7a: {  	[tilespmem:s16], [sflag:$0x2] =	stream.indirect.gather [hbm4b:s1+s14], $0x80, s2, s14, $0xb8;
	[tilespmem:$0x1FAC0] =	vst v63  }
0x7b: {  	_ =	swait.ge [sflag:s31], $0x1C00  }
0x7c: {  	[sflag:s31] =	ssyncset.done $0x0  }
0x7d: {  	s30 =	sadd.s32 $0x28E8, s30;
	[sflag:s31] =	ssyncadd.s32 $0xFFFFE400  }
0x7e: {  	[spmem:s3] =	stream.indirect.scatter.add.f32 [tilespmem:s21], [sflag:$0x8], $0x80, s30, s14, $0xb8;
	[tilespmem:$0x1FAC0] =	vst v63  }
0x7f: {  	_ =	swait.ge [sflag:s0], $0x1C00  }
0x80: {  	[sflag:s0] =	ssyncset.done $0x0  }
0x81: {  	[sflag:s0] =	ssyncadd.s32 $0xFFFFE400  }
0x82: {  	[tilespmem:s18], [sflag:$0x3] =	stream.indirect.gather [hbm4b:s1+s14], $0x80, s20, s14, $0xb8;
	[tilespmem:$0x1FAC0] =	vst v63  }
0x83: {  	_ =	swait.ge [sflag:s19], $0x1C00  }
0x84: {  	s2 =	sshra.s32 s28, $0x2;
	[sflag:s19] =	ssyncset.done $0x0  }
0x85: {  	s28 =	sadd.s32 $0x2840, s2;
	[sflag:s19] =	ssyncadd.s32 $0xFFFFE400  }
0x86: {  	[spmem:s3] =	stream.indirect.scatter.add.f32 [tilespmem:s15], [sflag:$0x5], $0x80, s28, s14, $0xb8;
	[tilespmem:$0x1FAC0] =	vst v63  }
0x87: {  	_ =	swait.ge [sflag:s17], $0x1C00  }
0x88: {  	[sflag:s17] =	ssyncset.done $0x0  }
0x89: {  	s30 =	sadd.s32 $0x188, s2;
	[sflag:s17] =	ssyncadd.s32 $0xFFFFE400  }
0x8a: {  	[tilespmem:s21], [sflag:$0x4] =	stream.indirect.gather [hbm4b:s1+s14], $0x80, s30, s14, $0xb8;
	[tilespmem:$0x1FAC0] =	vst v63  }
0x8b: {  	_ =	swait.ge [sflag:s22], $0x1C00  }
0x8c: {  	[sflag:s22] =	ssyncset.done $0x0  }
0x8d: {  	s30 =	sadd.s32 $0x2878, s2;
	[sflag:s22] =	ssyncadd.s32 $0xFFFFE400  }
0x8e: {  	[spmem:s3] =	stream.indirect.scatter.add.f32 [tilespmem:s16], [sflag:$0x6], $0x80, s30, s14, $0xb8;
	[tilespmem:$0x1FAC0] =	vst v63  }
0x8f: {  	_ =	swait.ge [sflag:s26], $0x1C00  }
0x90: {  	[sflag:s26] =	ssyncset.done $0x0  }
0x91: {  	[sflag:s26] =	ssyncadd.s32 $0xFFFFE400  }
0x92: {  	[spmem:s3] =	stream.indirect.scatter.add.f32 [tilespmem:s18], [sflag:$0x7], $0x80, s23, s14, $0xb8;
	[tilespmem:$0x1FAC0] =	vst v63  }
0x93: {  	_ =	swait.ge [sflag:s31], $0x1C00  }
0x94: {  	[sflag:s31] =	ssyncset.done $0x0  }
0x95: {  	s2 =	sadd.s32 $0x28E8, s2;
	[sflag:s31] =	ssyncadd.s32 $0xFFFFE400  }
0x96: {  	[spmem:s3] =	stream.indirect.scatter.add.f32 [tilespmem:s21], [sflag:$0x8], $0x80, s2, s14, $0xb8;
	[tilespmem:$0x1FAC0] =	vst v63  }
0x97: {  	_ =	swait.ge [sflag:s24], $0x1C00  }
0x98: {  	[sflag:s24] =	ssyncset.done $0x0  }
0x99: {  	[sflag:s24] =	ssyncadd.s32 $0xFFFFE400  }
0x9a: {  	_ =	swait.ge [sflag:s29], $0x1C00  }
0x9b: {  	[sflag:s29] =	ssyncset.done $0x0  }
0x9c: {  	[sflag:s29] =	ssyncadd.s32 $0xFFFFE400  }
0x9d: {  	_ =	swait.ge [sflag:s0], $0x1C00  }
0x9e: {  	[sflag:s0] =	ssyncset.done $0x0  }
0x9f: {  	[sflag:s0] =	ssyncadd.s32 $0xFFFFE400  }
0xa0: {  	_ =	swait.ge [sflag:s17], $0x1C00  }
0xa1: {  	s25 =	sadd.s32 $0x1, s25;
	[sflag:s17] =	ssyncset.done $0x0  }
0xa2: {  	p0 =	sne.s32 s25, s10;
	[sflag:s17] =	ssyncadd.s32 $0xFFFFE400  }
.Ltmp1:
0xa3: {  	[bflag:$0x0] =	sbarrier.arrive $0xFFFF;
	(pc) =	sbr.rel @p0 .LBB2_1-.Ltmp1, $4  }
0xa4: {  	[hbm:s9], [sflag:s6] =	dma.local [spmem:s11], $0x2780  }
0xa5: {  	_ =	swait.ge [sflag:s12], $0x2780  }
0xa6: {  	[sflag:s12] =	ssyncset.done $0x0  }
0xa7: {  	[sflag:s12] =	ssyncadd.s32 $0xFFFFD880  }
0xa8: {  	_ =	sfence.sel $0x180000  }
0xa9: {  	[bflag:$0x0] =	sbarrier.arrive $0xFFFF  }
0xaa: {  	_ =	strace $0x9000004A  }
0xab: {  	s0 =	stileid.u32;
	[bflag:$0x2] =	sbarrier.arrive $0xFFFF  }
0xac: {  	p0 =	sne.s32 s0, $0x0;
	s0 =	rddreg [dreg:$0x3]  }
0xad: {  	s0 =	sadd.s32 @!p0 $0x100000, s0  }
0xae: {  	[sflag:s0] =	ssyncadd.tile.s32 @!p0 $0x1;
	_ =	shalt  }
.Lfunc_end2:
_tile_overlayer_lowered:
.L_overlay_start_2:
0xaf: {  	(tag) =	ssettag $0x2  }
0xb0: {  	s0 =	rddreg [dreg:$0x0];
	s2 =	stileid.u32  }
0xb1: {  	s1 =	rddreg [dreg:$0x1];
	p0 =	sne.s32 s2, $0x0  }
0xb2: {  	s3 =	rddreg [dreg:$0x2];
	[bflag:$0x3] =	sbarrier.arrive $0xFFFF;
	s2 =	simm.s32 @!p0 $0x1C09  }
0xb3: {  	[timem:s3], [sflag:s2] =	dma.local @!p0 [hbm:s0], s1  }
0xb4: {  	s0 =	simm.s32 @!p0 $0x9  }
0xb5: {  	_ =	swait.ge @!p0 [sflag:s0], s1  }
0xb6: {  	s1 =	ssub.s32 @!p0 $0x0, s1;
	[sflag:s0] =	ssyncset.done @!p0 $0x0  }
0xb7: {  	[sflag:s0] =	ssyncadd.s32 @!p0 s1  }
0xb8: {  	[bflag:$0x3] =	sbarrier.arrive $0xFFFF  }
0xb9: {  	_ =	shalt  }

// kernel: kernel.14.cloned.1.call-start
scs
__scs_entry_jumppad:
0x0: {  	(pc) =	sbr.rel $0x88, $3  }
0x1: {  	(tag) =	ssettag $0x0;
	lr =	simm.s32 $0x1  }
0x2: {  	[smem:$0x3F9B] =	sst lr;
	_ =	strace $0xD0000000  }
0x3: {  	_ = 	snop  }
0x4: {  	_ = 	snop  }
0x5: {  	_ = 	snop  }
0x6: {  	_ = 	snop  }
0x7: {  	_ = 	snop  }
__scs_overlays_trampoline_lowered:
0x8: {  	[smem:$0x3FAA] =	sst s0  }
0x9: {  	[smem:$0x3FAB] =	sst s1  }
0xa: {  	[smem:$0x3FAC] =	sst s2  }
0xb: {  	[smem:$0x3FAD] =	sst s3  }
0xc: {  	[smem:$0x3FAE] =	sst s4  }
0xd: {  	[smem:$0x3FAF] =	sst s5  }
0xe: {  	[smem:$0x3FB0] =	sst s6  }
0xf: {  	[smem:$0x3FB1] =	sst s7  }
0x10: {  	[smem:$0x3FB2] =	sst s8  }
0x11: {  	[smem:$0x3FB3] =	sst s9;
	s0 =	simm.s32 @!p0 $0x0  }
0x12: {  	s1 =	sld [smem:$0x3F99];
	s0 =	simm.s32 @p0 $0x1  }
0x13: {  	[smem:$0x3FB4] =	sst s0;
	s0 =	simm.s32 @!p1 $0x0  }
0x14: {  	s2 =	sld [smem:$0x3F98];
	s0 =	simm.s32 @p1 $0x1  }
0x15: {  	[smem:$0x3FB5] =	sst s0;
	s0 =	simm.s32 @!p2 $0x0  }
0x16: {  	s3 =	sld [smem:$0x3FDB];
	s0 =	simm.s32 @p2 $0x1  }
0x17: {  	s4 =	simm.s32 $0x1BF5;
	[smem:$0x3FB7] =	sst s0  }
0x18: {  	s0 =	sld [smem:$0x3F9A];
	_ =	swait.ge [sflag:s4], $0x0  }
0x19: {  	s7 =	sld [smem:$0x3F9B]  }
0x1a: {  	s8 =	sadd.s32 $0xFFFFE003, lr  }
0x1b: {  	s9 =	sadd.s32 $0xFFFFFEF7, lr;
	s5 =	simm.s32 $0xFFFFFFFF;
	p2 =	slt.u32 s8, $0xFFFFF086  }
0x1c: {  	p1 =	slt.u32 s9, $0xF7A;
	s5 =	simm.s32 @!p2 $0x0  }
0x1d: {  	s5 =	simm.s32 @p1 $0x1;
	p0 =	seq.s32 s7, s2  }
0x1e: {  	s7 =	smul.u32 @!p0 $0xF7A, s2;
	p2 =	seq.s32 @!p0 s5, $0x0  }
0x1f: {  	s9 =	smul.u32 $0xF7A, s1;
	s8 =	simm.s32 @!p0 $0x1BF5;
	p2 =	por !p2, p0  }
0x20: {  	[sflag:s8] =	ssyncset.s32 @!p0 $0xFFFFF086;
	s6 =	sadd.s32 @!p0 s3, s7;
	s7 =	simm.s32 @!p0 $0x108  }
0x21: {  	s3 =	sadd.s32 s3, s9;
	s6 =	sadd.s32 @!p0 $0x88, s6;
	s7 =	simm.s32 @p2 $0x1082  }
0x22: {  	[simem:s7], [sflag:s8] =	dma.local @!p0 [hbm:s6], $0xF7A  }
0x23: {  	s9 =	sor.u32 $0xD0000000, s2;
	s6 =	simm.s32 $0x108;
	_ =	swait.ge @!p0 [sflag:s8], $0x0  }
0x24: {  	s3 =	sadd.s32 $0x88, s3;
	s6 =	simm.s32 @!p1 $0x1082;
	[sflag:s4] =	ssyncset.s32 $0xFFFFF086  }
0x25: {  	[simem:s6], [sflag:s4] =	dma.local [hbm:s3], $0xF7A  }
0x26: {  	[smem:$0x3F9B] =	sst s1;
	(tag) =	ssettag s2;
	_ =	strace s9  }
0x27: {  	s1 =	sld [smem:$0x3FAB]  }
0x28: {  	s2 =	sld [smem:$0x3FAC]  }
0x29: {  	s4 =	sld [smem:$0x3FAE]  }
0x2a: {  	p0 =	seq.s32 s5, $0x0;
	s5 =	sld [smem:$0x3FAF]  }
0x2b: {  	s6 =	sld [smem:$0x3FB0]  }
0x2c: {  	s7 =	sld [smem:$0x3FB1]  }
0x2d: {  	s3 =	simm.s32 $0x108;
	s8 =	sld [smem:$0x3FB2]  }
0x2e: {  	s3 =	simm.s32 @!p0 $0x1082;
	s9 =	sld [smem:$0x3FB3]  }
0x2f: {  	lr =	sadd.s32 s0, s3;
	s0 =	sld [smem:$0x3FAA]  }
0x30: {  	s3 =	sld [smem:$0x3FAD]  }
0x31: {  	[smem:$0x3FB6] =	sst s10  }
0x32: {  	s10 =	sld [smem:$0x3FB4];
	_ =	sdelay $0x3  }
0x33: {  	p0 =	seq.s32 s10, $0x1;
	s10 =	sld [smem:$0x3FB6];
	_ =	sdelay $0x3  }
0x34: {  	[smem:$0x3FB6] =	sst s10  }
0x35: {  	s10 =	sld [smem:$0x3FB5];
	_ =	sdelay $0x3  }
0x36: {  	p1 =	seq.s32 s10, $0x1;
	s10 =	sld [smem:$0x3FB6];
	_ =	sdelay $0x3  }
0x37: {  	[smem:$0x3FB6] =	sst s10  }
0x38: {  	s10 =	sld [smem:$0x3FB7]  }
0x39: {  	_ = 	snop;
	(pc) =	sbr.ind lr, $3  }
0x3a: {  	_ = 	snop  }
0x3b: {  	_ = 	snop  }
0x3c: {  	p2 =	seq.s32 s10, $0x1;
	s10 =	sld [smem:$0x3FB6]  }
0x3d: {  	_ =	shalt  }
0x3e: {  	_ =	shalt  }
0x3f: {  	_ =	shalt  }
0x40: {  	_ =	shalt  }
0x41: {  	_ =	shalt  }
0x42: {  	_ =	shalt  }
0x43: {  	_ =	shalt  }
0x44: {  	_ =	shalt  }
0x45: {  	_ =	shalt  }
0x46: {  	_ =	shalt  }
0x47: {  	_ =	shalt  }
0x48: {  	_ =	shalt  }
0x49: {  	_ =	shalt  }
0x4a: {  	_ =	shalt  }
0x4b: {  	_ =	shalt  }
0x4c: {  	_ =	shalt  }
0x4d: {  	_ =	shalt  }
0x4e: {  	_ =	shalt  }
0x4f: {  	_ =	shalt  }
0x50: {  	_ =	shalt  }
0x51: {  	_ =	shalt  }
0x52: {  	_ =	shalt  }
0x53: {  	_ =	shalt  }
0x54: {  	_ =	shalt  }
0x55: {  	_ =	shalt  }
0x56: {  	_ =	shalt  }
0x57: {  	_ =	shalt  }
0x58: {  	_ =	shalt  }
0x59: {  	_ =	shalt  }
0x5a: {  	_ =	shalt  }
0x5b: {  	_ =	shalt  }
0x5c: {  	_ =	shalt  }
0x5d: {  	_ =	shalt  }
0x5e: {  	_ =	shalt  }
0x5f: {  	_ =	shalt  }
0x60: {  	_ =	shalt  }
0x61: {  	_ =	shalt  }
0x62: {  	_ =	shalt  }
0x63: {  	_ =	shalt  }
0x64: {  	_ =	shalt  }
0x65: {  	_ =	shalt  }
0x66: {  	_ =	shalt  }
0x67: {  	_ =	shalt  }
0x68: {  	_ =	shalt  }
0x69: {  	_ =	shalt  }
0x6a: {  	_ =	shalt  }
0x6b: {  	_ =	shalt  }
0x6c: {  	_ =	shalt  }
0x6d: {  	_ =	shalt  }
0x6e: {  	_ =	shalt  }
0x6f: {  	_ =	shalt  }
0x70: {  	_ =	shalt  }
0x71: {  	_ =	shalt  }
0x72: {  	_ =	shalt  }
0x73: {  	_ =	shalt  }
0x74: {  	_ =	shalt  }
0x75: {  	_ =	shalt  }
0x76: {  	_ =	shalt  }
0x77: {  	_ =	shalt  }
0x78: {  	_ =	shalt  }
0x79: {  	_ =	shalt  }
0x7a: {  	_ =	shalt  }
0x7b: {  	_ =	shalt  }
0x7c: {  	_ =	shalt  }
0x7d: {  	_ =	shalt  }
0x7e: {  	_ =	shalt  }
0x7f: {  	_ =	shalt  }
0x80: {  	_ =	shalt  }
0x81: {  	_ =	shalt  }
0x82: {  	_ =	shalt  }
0x83: {  	_ =	shalt  }
0x84: {  	_ =	shalt  }
0x85: {  	_ =	shalt  }
0x86: {  	_ =	shalt  }
0x87: {  	_ =	shalt  }
.Lfunc_end0:
.L_simem_size_0:
called_computation.2_lowered:
.L_overlay_start_0:
0x88: {  	s2 =	sld [smem:$0x3FD9]  }
0x89: {  	s3 =	sld [smem:$0x3FFE];
	_ =	sdelay $0x1  }
0x8a: {  	s1 =	srdreg.scid  }
0x8b: {  	s0 =	sand.u32 $0x1, s1  }
0x8c: {  	s17 =	sshll.u32 s0, $0xA;
	s2 =	sadd.s32 s3, s2  }
0x8d: {  	s2 =	sadd.s32 s2, s17  }
0x8e: {  	[smem:$0x3FC2] =	sst s2  }
0x8f: {  	_ = 	snop  }
0x90: {  	s2 =	sld [smem:$0x3FD0];
	(tm) =	ssettm $0x1  }
0x91: {  	s18 =	sld [smem:$0x3FFB];
	_ =	sdelay $0x3  }
0x92: {  	_ =	strace s18  }
0x93: {  	s3 =	sld [smem:$0x3FFC];
	_ =	sdelay $0x3  }
0x94: {  	_ =	strace s3  }
0x95: {  	s3 =	sld [smem:$0x3FFD];
	_ =	sdelay $0x3  }
0x96: {  	_ =	strace s3  }
0x97: {  	_ =	strace $0x8FFFFFFF  }
0x98: {  	s19 =	sld [smem:$0x3FDB];
	_ =	sdelay $0x1  }
0x99: {  	s4 =	simm.s32 $_scs_section_size  }
0x9a: {  	s5 =	simm.s32 $_size__tile_overlayer_lowered;
	s6 =	simm.s32 $_tile_overlayer_lowered  }
0x9b: {  	s22 =	simm.s32 $0x1BFF;
	s21 =	sshll.u32 s6, $0x1;
	s3 =	sadd.s32 s4, s19  }
0x9c: {  	s7 =	simm.s32 $0x0;
	s20 =	sshll.u32 s5, $0x1;
	s5 =	sadd.s32 s21, s3  }
0x9d: {  	[timem:s7], [sflag:s22] =	dma.local [hbm:s5], s20  }
0x9e: {  	_ =	swait.ge [sflag:s22], s20  }
0x9f: {  	s4 =	ssub.s32 $0x0, s20;
	[sflag:s22] =	ssyncset.done $0x0  }
0xa0: {  	[sflag:s22] =	ssyncadd.s32 s4;
	_ =	sdelay $0x1  }
0xa1: {  	s23 =	simm.s32 $0x1B8B  }
0xa2: {  	_ =	swait.ge [sflag:s23], $0x1  }
0xa3: {  	[sflag:s23] =	ssyncset.done $0x0  }
0xa4: {  	s25 =	simm.s32 $0x1B8E;
	s24 =	sld [smem:$0x3FFE];
	[sflag:s23] =	ssyncadd.s32 $0xFFFFFFFF  }
0xa5: {  	s26 =	simm.s32 $execute0_lowered;
	[smem:$0x3FD2] =	sst s25  }
0xa6: {  	s5 =	sshll.u32 s26, $0x1;
	_ =	strace $0x8000004C;
	[dreg:$0x1] =	wrdreg $0xFFFFFFFF  }
0xa7: {  	s28 =	simm.s32 $_size_execute0_lowered;
	s3 =	sadd.s32 s3, s5;
	[dreg:$0x0] =	wrdreg $0x0  }
0xa8: {  	s5 =	sshll.u32 s28, $0x1;
	[dreg:$0x2] =	wrdreg s3  }
0xa9: {  	[dreg:$0x3] =	wrdreg s5  }
0xaa: {  	[dreg:$0x4] =	wrdreg $0xC0  }
0xab: {  	_ =	task [dreg:s7], $0x5FFFF  }
0xac: {  	[dreg:$0x1] =	wrdreg $0xFFFFFFFF  }
0xad: {  	[dreg:$0x0] =	wrdreg $0x60  }
0xae: {  	[dreg:$0x2] =	wrdreg s2  }
0xaf: {  	[dreg:$0x3] =	wrdreg s24  }
0xb0: {  	[dreg:$0x4] =	wrdreg $0xBEC00  }
0xb1: {  	[dreg:$0x5] =	wrdreg $0x9  }
0xb2: {  	_ =	task.clear_ibuf [dreg:s7], $0x6FFFF;
	_ =	strace $0x9000004C  }
0xb3: {  	s29 =	simm.s32 $0x9;
	_ =	strace $0x8000004E  }
0xb4: {  	_ =	swait.ge [sflag:s29], $0x1  }
0xb5: {  	[sflag:s29] =	ssyncadd.s32 $0xFFFFFFFF  }
0xb6: {  	_ =	strace $0x9000004E  }
0xb7: {  	_ =	sfence  }
0xb8: {  	s30 =	sld [smem:$0x0];
	_ =	sdelay $0x2  }
0xb9: {  	s31 =	sshll.u32 s1, $0xD;
	s1 =	sshrl.u32 s1, $0x2  }
0xba: {  	s3 =	sand.u32 $0x4000, s31;
	s1 =	sadd.s32 s1, s30  }
0xbb: {  	s0 =	sor.u32 s3, s0;
	s1 =	sshll.u32 s1, $0x11  }
0xbc: {  	s0 =	sor.u32 s1, s0  }
0xbd: {  	s0 =	sadd.s32 $0x8F2B, s0  }
0xbe: {  	[sflag:s0] =	ssyncadd.remote.s32 $0x1  }
0xbf: {  	_ =	sfence.sel $0xFFFF  }
0xc0: {  	[dreg:$0x0] =	wrdreg $0xFFFFFFFF;
	(pc) =	sbr.abs _section_cstart, $3  }
0xc1: {  	[dreg:$0x1] =	wrdreg $0xFFFFFFFF  }
0xc2: {  	_ =	task.clear_ibuf [dreg:s7], $0x2FFFF;
	_ =	strace $0x9FFFFFFF  }
0xc3: {  	(tm) =	ssettm $0x7FFFFFFF  }
tec
execute0_lowered:
.L_overlay_start_1:
0x0: {  	(tag) =	ssettag $0x1  }
0x1: {  	s1 =	rddreg [dreg:$0x0]  }
0x2: {  	s0 =	srdreg.scid;
	s5 =	rddreg [dreg:$0x1]  }
0x3: {  	s11 =	stileid.u32;
	s3 =	rddreg [dreg:$0x2]  }
0x4: {  	s4 =	simm.s32 $0x0;
	s12 =	simm.s32 $0x9;
	s13 =	simm.s32 $0x2760  }
0x5: {  	s14 =	simm.s32 $0x38;
	s15 =	simm.s32 $0x4EC0;
	s16 =	simm.s32 $0x6AC0  }
0x6: {  	s18 =	simm.s32 $0x86C0;
	s19 =	simm.s32 $0x1;
	s21 =	simm.s32 $0xA2C0  }
0x7: {  	s22 =	simm.s32 $0x2;
	s24 =	simm.s32 $0x5;
	s26 =	simm.s32 $0x3  }
0x8: {  	s29 =	simm.s32 $0x6;
	s31 =	simm.s32 $0x4;
	s17 =	simm.s32 $0x8  }
0x9: {  	s20 =	simm.s32 $0x26F0;
	s23 =	simm.s32 $0x4E50;
	s25 =	simm.s32 $0x0  }
0xa: {  	s0 =	sand.u32 $0x1, s0;
	s2 =	sshll.u32 s11, $0x1;
	s6 =	smul.u32 $0x13C00, s11  }
0xb: {  	[smem:$0x7FF] =	sst s4;
	s28 =	sshll.u32 s11, $0x6;
	s2 =	sor.u32 s0, s2  }
0xc: {  	s7 =	smul.u32 $0x13C000, s0;
	_ =	strace $0x8000004D;
	s0 =	ssub.s32 $0x2, s0  }
0xd: {  	s2 =	smul.u32 $0x4EC, s2;
	s8 =	sshrl.u32 s6, $0x3;
	s9 =	sshrl.u32 s0, $0x1  }
0xe: {  	s30 =	sadd.s32 s6, s3;
	s7 =	sadd.s32 s6, s7;
	s8 =	sadd.s32 s8, s5  }
0xf: {  	s0 =	ssub.s32 s0, s9;
	s6 =	sor.u32 $0x1C09, s28;
	s7 =	sshrl.u32 s7, $0x3  }
0x10: {  	s11 =	sshrl.u32 s30, $0x3;
	s2 =	sadd.s32 s2, s5;
	s10 =	sadd.s32 s7, s5  }
0x11: {  	s5 =	sadd.s32 $0x65C00, s8;
	s7 =	sadd.s32 $0xCE00, s2;
	s8 =	sadd.s32 $0x3000, s2  }
0x12: {  	s9 =	sadd.s32 $0x8D400, s10;
	s10 =	smax.u32 s0, $0x1;
	s0 =	simm.s32 $0x7  }
.LBB2_1:
0x13: {  	[spmem:s11], [sflag:s6] =	dma.local [hbm:s5], $0x2780  }
0x14: {  	_ =	swait.ge [sflag:s12], $0x2780  }
0x15: {  	[sflag:s12] =	ssyncset.done $0x0  }
0x16: {  	[sflag:s12] =	ssyncadd.s32 $0xFFFFD880  }
0x17: {  	[tilespmem:s4], [sflag:$0x9] =	stream.linear.gather [hbm4b:s7+s4], $0x2760, $0x38;
	[tilespmem:$0x1FAC0] =	vst v63  }
0x18: {  	_ =	swait.ge [sflag:s12], $0x2760  }
0x19: {  	[sflag:s12] =	ssyncset.done $0x0  }
0x1a: {  	[sflag:s12] =	ssyncadd.s32 $0xFFFFD8A0  }
0x1b: {  	[tilespmem:s13], [sflag:$0x9] =	stream.linear.gather [hbm4b:s8+s4], $0x2760, $0x38;
	[tilespmem:$0x1FAC0] =	vst v63  }
0x1c: {  	_ =	swait.ge [sflag:s12], $0x2760  }
0x1d: {  	[sflag:s12] =	ssyncset.done $0x0  }
0x1e: {  	[sflag:s12] =	ssyncadd.s32 $0xFFFFD8A0  }
0x1f: {  	[bflag:$0x0] =	sbarrier.arrive $0xFFFF  }
0x20: {  	[tilespmem:s15], [sflag:$0x1] =	stream.indirect.gather [hbm4b:s1+s14], $0x80, s4, s14, $0xb8;
	[tilespmem:$0x1FAC0] =	vst v63  }
0x21: {  	_ = 	snop  }
0x22: {  	[tilespmem:s16], [sflag:$0x2] =	stream.indirect.gather [hbm4b:s1+s14], $0x80, s14, s14, $0xb8;
	[tilespmem:$0x1FAC0] =	vst v63  }
0x23: {  	s2 =	simm.s32 $0x70  }
0x24: {  	[tilespmem:s18], [sflag:$0x3] =	stream.indirect.gather [hbm4b:s1+s14], $0x80, s2, s14, $0xb8;
	[tilespmem:$0x1FAC0] =	vst v63  }
0x25: {  	_ =	swait.ge [sflag:s19], $0x1C00  }
0x26: {  	[sflag:s19] =	ssyncset.done $0x0  }
0x27: {  	[sflag:s19] =	ssyncadd.s32 $0xFFFFE400  }
0x28: {  	[spmem:s3] =	stream.indirect.scatter.add.f32 [tilespmem:s15], [sflag:$0x5], $0x80, s13, s14, $0xb8;
	[tilespmem:$0x1FAC0] =	vst v63  }
0x29: {  	s2 =	simm.s32 $0xA8  }
0x2a: {  	[tilespmem:s21], [sflag:$0x4] =	stream.indirect.gather [hbm4b:s1+s14], $0x80, s2, s14, $0xb8;
	[tilespmem:$0x1FAC0] =	vst v63  }
0x2b: {  	_ =	swait.ge [sflag:s22], $0x1C00  }
0x2c: {  	[sflag:s22] =	ssyncset.done $0x0  }
0x2d: {  	s2 =	simm.s32 $0x2798;
	[sflag:s22] =	ssyncadd.s32 $0xFFFFE400  }
0x2e: {  	[spmem:s3] =	stream.indirect.scatter.add.f32 [tilespmem:s16], [sflag:$0x6], $0x80, s2, s14, $0xb8;
	[tilespmem:$0x1FAC0] =	vst v63  }
0x2f: {  	_ =	swait.ge [sflag:s24], $0x1C00  }
0x30: {  	[sflag:s24] =	ssyncset.done $0x0  }
0x31: {  	s2 =	simm.s32 $0xE0;
	[sflag:s24] =	ssyncadd.s32 $0xFFFFE400  }
0x32: {  	[tilespmem:s15], [sflag:$0x1] =	stream.indirect.gather [hbm4b:s1+s14], $0x80, s2, s14, $0xb8;
	[tilespmem:$0x1FAC0] =	vst v63  }
0x33: {  	_ =	swait.ge [sflag:s26], $0x1C00  }
0x34: {  	[sflag:s26] =	ssyncset.done $0x0  }
0x35: {  	s2 =	simm.s32 $0x27D0;
	[sflag:s26] =	ssyncadd.s32 $0xFFFFE400  }
0x36: {  	[spmem:s3] =	stream.indirect.scatter.add.f32 [tilespmem:s18], [sflag:$0x7], $0x80, s2, s14, $0xb8;
	[tilespmem:$0x1FAC0] =	vst v63  }
0x37: {  	_ =	swait.ge [sflag:s29], $0x1C00  }
0x38: {  	[sflag:s29] =	ssyncset.done $0x0  }
0x39: {  	s2 =	simm.s32 $0x118;
	[sflag:s29] =	ssyncadd.s32 $0xFFFFE400  }
0x3a: {  	[tilespmem:s16], [sflag:$0x2] =	stream.indirect.gather [hbm4b:s1+s14], $0x80, s2, s14, $0xb8;
	[tilespmem:$0x1FAC0] =	vst v63  }
0x3b: {  	_ =	swait.ge [sflag:s31], $0x1C00  }
0x3c: {  	[sflag:s31] =	ssyncset.done $0x0  }
0x3d: {  	s2 =	simm.s32 $0x2808;
	[sflag:s31] =	ssyncadd.s32 $0xFFFFE400  }
0x3e: {  	[spmem:s3] =	stream.indirect.scatter.add.f32 [tilespmem:s21], [sflag:$0x8], $0x80, s2, s14, $0xb8;
	[tilespmem:$0x1FAC0] =	vst v63  }
0x3f: {  	_ =	swait.ge [sflag:s0], $0x1C00  }
0x40: {  	[sflag:s0] =	ssyncset.done $0x0  }
0x41: {  	s28 =	simm.s32 $0x150;
	[sflag:s0] =	ssyncadd.s32 $0xFFFFE400  }
0x42: {  	[tilespmem:s18], [sflag:$0x3] =	stream.indirect.gather [hbm4b:s1+s14], $0x80, s28, s14, $0xb8;
	[tilespmem:$0x1FAC0] =	vst v63  }
0x43: {  	_ =	swait.ge [sflag:s19], $0x1C00  }
0x44: {  	[sflag:s19] =	ssyncset.done $0x0  }
0x45: {  	s28 =	simm.s32 $0x2840;
	[sflag:s19] =	ssyncadd.s32 $0xFFFFE400  }
0x46: {  	[spmem:s3] =	stream.indirect.scatter.add.f32 [tilespmem:s15], [sflag:$0x5], $0x80, s28, s14, $0xb8;
	[tilespmem:$0x1FAC0] =	vst v63  }
0x47: {  	_ =	swait.ge [sflag:s17], $0x1C00  }
0x48: {  	[sflag:s17] =	ssyncset.done $0x0  }
0x49: {  	s28 =	simm.s32 $0x188;
	[sflag:s17] =	ssyncadd.s32 $0xFFFFE400  }
0x4a: {  	[tilespmem:s21], [sflag:$0x4] =	stream.indirect.gather [hbm4b:s1+s14], $0x80, s28, s14, $0xb8;
	[tilespmem:$0x1FAC0] =	vst v63  }
0x4b: {  	_ =	swait.ge [sflag:s22], $0x1C00  }
0x4c: {  	[sflag:s22] =	ssyncset.done $0x0  }
0x4d: {  	s28 =	simm.s32 $0x2878;
	[sflag:s22] =	ssyncadd.s32 $0xFFFFE400  }
0x4e: {  	[spmem:s3] =	stream.indirect.scatter.add.f32 [tilespmem:s16], [sflag:$0x6], $0x80, s28, s14, $0xb8;
	[tilespmem:$0x1FAC0] =	vst v63  }
0x4f: {  	_ =	swait.ge [sflag:s24], $0x1C00  }
0x50: {  	[sflag:s24] =	ssyncset.done $0x0  }
0x51: {  	s28 =	simm.s32 $0x1C0;
	[sflag:s24] =	ssyncadd.s32 $0xFFFFE400  }
0x52: {  	[tilespmem:s15], [sflag:$0x1] =	stream.indirect.gather [hbm4b:s1+s14], $0x80, s28, s14, $0xb8;
	[tilespmem:$0x1FAC0] =	vst v63  }
0x53: {  	_ =	swait.ge [sflag:s26], $0x1C00  }
0x54: {  	[sflag:s26] =	ssyncset.done $0x0  }
0x55: {  	s28 =	simm.s32 $0x28B0;
	[sflag:s26] =	ssyncadd.s32 $0xFFFFE400  }
0x56: {  	[spmem:s3] =	stream.indirect.scatter.add.f32 [tilespmem:s18], [sflag:$0x7], $0x80, s28, s14, $0xb8;
	[tilespmem:$0x1FAC0] =	vst v63  }
0x57: {  	_ =	swait.ge [sflag:s29], $0x1C00  }
0x58: {  	[sflag:s29] =	ssyncset.done $0x0  }
0x59: {  	s28 =	simm.s32 $0x1F8;
	[sflag:s29] =	ssyncadd.s32 $0xFFFFE400  }
0x5a: {  	[tilespmem:s16], [sflag:$0x2] =	stream.indirect.gather [hbm4b:s1+s14], $0x80, s28, s14, $0xb8;
	[tilespmem:$0x1FAC0] =	vst v63  }
0x5b: {  	_ =	swait.ge [sflag:s31], $0x1C00  }
0x5c: {  	[sflag:s31] =	ssyncset.done $0x0  }
0x5d: {  	s30 =	simm.s32 $0x28E8;
	s28 =	simm.s32 $0x380;
	[sflag:s31] =	ssyncadd.s32 $0xFFFFE400  }
.LBB2_2:
0x5e: {  	[spmem:s3] =	stream.indirect.scatter.add.f32 [tilespmem:s21], [sflag:$0x8], $0x80, s30, s14, $0xb8;
	[tilespmem:$0x1FAC0] =	vst v63  }
0x5f: {  	s30 =	smov.u32 s28;
	s28 =	sadd.s32 $0x380, s28;
	_ =	swait.ge [sflag:s0], $0x1C00  }
0x60: {  	s30 =	sshra.s32 s30, $0x2;
	p0 =	sne.s32 s28, $0x9680;
	[sflag:s0] =	ssyncset.done $0x0  }
0x61: {  	s2 =	sadd.s32 $0x150, s30;
	[sflag:s0] =	ssyncadd.s32 $0xFFFFE400  }
0x62: {  	[tilespmem:s18], [sflag:$0x3] =	stream.indirect.gather [hbm4b:s1+s14], $0x80, s2, s14, $0xb8;
	[tilespmem:$0x1FAC0] =	vst v63  }
0x63: {  	_ =	swait.ge [sflag:s19], $0x1C00  }
0x64: {  	[sflag:s19] =	ssyncset.done $0x0  }
0x65: {  	s2 =	sadd.s32 $0x2840, s30;
	[sflag:s19] =	ssyncadd.s32 $0xFFFFE400  }
0x66: {  	[spmem:s3] =	stream.indirect.scatter.add.f32 [tilespmem:s15], [sflag:$0x5], $0x80, s2, s14, $0xb8;
	[tilespmem:$0x1FAC0] =	vst v63  }
0x67: {  	_ =	swait.ge [sflag:s17], $0x1C00  }
0x68: {  	[sflag:s17] =	ssyncset.done $0x0  }
0x69: {  	s2 =	sadd.s32 $0x188, s30;
	[sflag:s17] =	ssyncadd.s32 $0xFFFFE400  }
0x6a: {  	[tilespmem:s21], [sflag:$0x4] =	stream.indirect.gather [hbm4b:s1+s14], $0x80, s2, s14, $0xb8;
	[tilespmem:$0x1FAC0] =	vst v63  }
0x6b: {  	_ =	swait.ge [sflag:s22], $0x1C00  }
0x6c: {  	[sflag:s22] =	ssyncset.done $0x0  }
0x6d: {  	s2 =	sadd.s32 $0x2878, s30;
	[sflag:s22] =	ssyncadd.s32 $0xFFFFE400  }
0x6e: {  	[spmem:s3] =	stream.indirect.scatter.add.f32 [tilespmem:s16], [sflag:$0x6], $0x80, s2, s14, $0xb8;
	[tilespmem:$0x1FAC0] =	vst v63  }
0x6f: {  	_ =	swait.ge [sflag:s24], $0x1C00  }
0x70: {  	[sflag:s24] =	ssyncset.done $0x0  }
0x71: {  	s2 =	sadd.s32 $0x1C0, s30;
	[sflag:s24] =	ssyncadd.s32 $0xFFFFE400  }
0x72: {  	[tilespmem:s15], [sflag:$0x1] =	stream.indirect.gather [hbm4b:s1+s14], $0x80, s2, s14, $0xb8;
	[tilespmem:$0x1FAC0] =	vst v63  }
0x73: {  	_ =	swait.ge [sflag:s26], $0x1C00  }
0x74: {  	[sflag:s26] =	ssyncset.done $0x0  }
0x75: {  	s2 =	sadd.s32 $0x28B0, s30;
	[sflag:s26] =	ssyncadd.s32 $0xFFFFE400  }
0x76: {  	[spmem:s3] =	stream.indirect.scatter.add.f32 [tilespmem:s18], [sflag:$0x7], $0x80, s2, s14, $0xb8;
	[tilespmem:$0x1FAC0] =	vst v63  }
0x77: {  	_ =	swait.ge [sflag:s29], $0x1C00  }
0x78: {  	[sflag:s29] =	ssyncset.done $0x0  }
.Ltmp0:
0x79: {  	s2 =	sadd.s32 $0x1F8, s30;
	[sflag:s29] =	ssyncadd.s32 $0xFFFFE400;
	(pc) =	sbr.rel @p0 .LBB2_2-.Ltmp0, $4  }
0x7a: {  	[tilespmem:s16], [sflag:$0x2] =	stream.indirect.gather [hbm4b:s1+s14], $0x80, s2, s14, $0xb8;
	[tilespmem:$0x1FAC0] =	vst v63  }
0x7b: {  	_ =	swait.ge [sflag:s31], $0x1C00  }
0x7c: {  	[sflag:s31] =	ssyncset.done $0x0  }
0x7d: {  	s30 =	sadd.s32 $0x28E8, s30;
	[sflag:s31] =	ssyncadd.s32 $0xFFFFE400  }
0x7e: {  	[spmem:s3] =	stream.indirect.scatter.add.f32 [tilespmem:s21], [sflag:$0x8], $0x80, s30, s14, $0xb8;
	[tilespmem:$0x1FAC0] =	vst v63  }
0x7f: {  	_ =	swait.ge [sflag:s0], $0x1C00  }
0x80: {  	[sflag:s0] =	ssyncset.done $0x0  }
0x81: {  	[sflag:s0] =	ssyncadd.s32 $0xFFFFE400  }
0x82: {  	[tilespmem:s18], [sflag:$0x3] =	stream.indirect.gather [hbm4b:s1+s14], $0x80, s20, s14, $0xb8;
	[tilespmem:$0x1FAC0] =	vst v63  }
0x83: {  	_ =	swait.ge [sflag:s19], $0x1C00  }
0x84: {  	s2 =	sshra.s32 s28, $0x2;
	[sflag:s19] =	ssyncset.done $0x0  }
0x85: {  	s28 =	sadd.s32 $0x2840, s2;
	[sflag:s19] =	ssyncadd.s32 $0xFFFFE400  }
0x86: {  	[spmem:s3] =	stream.indirect.scatter.add.f32 [tilespmem:s15], [sflag:$0x5], $0x80, s28, s14, $0xb8;
	[tilespmem:$0x1FAC0] =	vst v63  }
0x87: {  	_ =	swait.ge [sflag:s17], $0x1C00  }
0x88: {  	[sflag:s17] =	ssyncset.done $0x0  }
0x89: {  	s30 =	sadd.s32 $0x188, s2;
	[sflag:s17] =	ssyncadd.s32 $0xFFFFE400  }
0x8a: {  	[tilespmem:s21], [sflag:$0x4] =	stream.indirect.gather [hbm4b:s1+s14], $0x80, s30, s14, $0xb8;
	[tilespmem:$0x1FAC0] =	vst v63  }
0x8b: {  	_ =	swait.ge [sflag:s22], $0x1C00  }
0x8c: {  	[sflag:s22] =	ssyncset.done $0x0  }
0x8d: {  	s30 =	sadd.s32 $0x2878, s2;
	[sflag:s22] =	ssyncadd.s32 $0xFFFFE400  }
0x8e: {  	[spmem:s3] =	stream.indirect.scatter.add.f32 [tilespmem:s16], [sflag:$0x6], $0x80, s30, s14, $0xb8;
	[tilespmem:$0x1FAC0] =	vst v63  }
0x8f: {  	_ =	swait.ge [sflag:s26], $0x1C00  }
0x90: {  	[sflag:s26] =	ssyncset.done $0x0  }
0x91: {  	[sflag:s26] =	ssyncadd.s32 $0xFFFFE400  }
0x92: {  	[spmem:s3] =	stream.indirect.scatter.add.f32 [tilespmem:s18], [sflag:$0x7], $0x80, s23, s14, $0xb8;
	[tilespmem:$0x1FAC0] =	vst v63  }
0x93: {  	_ =	swait.ge [sflag:s31], $0x1C00  }
0x94: {  	[sflag:s31] =	ssyncset.done $0x0  }
0x95: {  	s2 =	sadd.s32 $0x28E8, s2;
	[sflag:s31] =	ssyncadd.s32 $0xFFFFE400  }
0x96: {  	[spmem:s3] =	stream.indirect.scatter.add.f32 [tilespmem:s21], [sflag:$0x8], $0x80, s2, s14, $0xb8;
	[tilespmem:$0x1FAC0] =	vst v63  }
0x97: {  	_ =	swait.ge [sflag:s24], $0x1C00  }
0x98: {  	[sflag:s24] =	ssyncset.done $0x0  }
0x99: {  	[sflag:s24] =	ssyncadd.s32 $0xFFFFE400  }
0x9a: {  	_ =	swait.ge [sflag:s29], $0x1C00  }
0x9b: {  	[sflag:s29] =	ssyncset.done $0x0  }
0x9c: {  	[sflag:s29] =	ssyncadd.s32 $0xFFFFE400  }
0x9d: {  	_ =	swait.ge [sflag:s0], $0x1C00  }
0x9e: {  	[sflag:s0] =	ssyncset.done $0x0  }
0x9f: {  	[sflag:s0] =	ssyncadd.s32 $0xFFFFE400  }
0xa0: {  	_ =	swait.ge [sflag:s17], $0x1C00  }
0xa1: {  	s25 =	sadd.s32 $0x1, s25;
	[sflag:s17] =	ssyncset.done $0x0  }
0xa2: {  	p0 =	sne.s32 s25, s10;
	[sflag:s17] =	ssyncadd.s32 $0xFFFFE400  }
.Ltmp1:
0xa3: {  	[bflag:$0x0] =	sbarrier.arrive $0xFFFF;
	(pc) =	sbr.rel @p0 .LBB2_1-.Ltmp1, $4  }
0xa4: {  	[hbm:s9], [sflag:s6] =	dma.local [spmem:s11], $0x2780  }
0xa5: {  	_ =	swait.ge [sflag:s12], $0x2780  }
0xa6: {  	[sflag:s12] =	ssyncset.done $0x0  }
0xa7: {  	[sflag:s12] =	ssyncadd.s32 $0xFFFFD880  }
0xa8: {  	_ =	sfence.sel $0x180000  }
0xa9: {  	[bflag:$0x0] =	sbarrier.arrive $0xFFFF  }
0xaa: {  	_ =	strace $0x9000004D  }
0xab: {  	s0 =	stileid.u32;
	[bflag:$0x2] =	sbarrier.arrive $0xFFFF  }
0xac: {  	p0 =	sne.s32 s0, $0x0;
	s0 =	rddreg [dreg:$0x3]  }
0xad: {  	s0 =	sadd.s32 @!p0 $0x100000, s0  }
0xae: {  	[sflag:s0] =	ssyncadd.tile.s32 @!p0 $0x1;
	_ =	shalt  }
.Lfunc_end2:
_tile_overlayer_lowered:
.L_overlay_start_2:
0xaf: {  	(tag) =	ssettag $0x2  }
0xb0: {  	s0 =	rddreg [dreg:$0x0];
	s2 =	stileid.u32  }
0xb1: {  	s1 =	rddreg [dreg:$0x1];
	p0 =	sne.s32 s2, $0x0  }
0xb2: {  	s3 =	rddreg [dreg:$0x2];
	[bflag:$0x3] =	sbarrier.arrive $0xFFFF;
	s2 =	simm.s32 @!p0 $0x1C09  }
0xb3: {  	[timem:s3], [sflag:s2] =	dma.local @!p0 [hbm:s0], s1  }
0xb4: {  	s0 =	simm.s32 @!p0 $0x9  }
0xb5: {  	_ =	swait.ge @!p0 [sflag:s0], s1  }
0xb6: {  	s1 =	ssub.s32 @!p0 $0x0, s1;
	[sflag:s0] =	ssyncset.done @!p0 $0x0  }
0xb7: {  	[sflag:s0] =	ssyncadd.s32 @!p0 s1  }
0xb8: {  	[bflag:$0x3] =	sbarrier.arrive $0xFFFF  }
0xb9: {  	_ =	shalt  }

// kernel: kernel.8.cloned.1.call-start
scs
__scs_entry_jumppad:
0x0: {  	(pc) =	sbr.rel $0x88, $3  }
0x1: {  	(tag) =	ssettag $0x0;
	lr =	simm.s32 $0x1  }
0x2: {  	[smem:$0x3F9B] =	sst lr;
	_ =	strace $0xD0000000  }
0x3: {  	_ = 	snop  }
0x4: {  	_ = 	snop  }
0x5: {  	_ = 	snop  }
0x6: {  	_ = 	snop  }
0x7: {  	_ = 	snop  }
__scs_overlays_trampoline_lowered:
0x8: {  	[smem:$0x3FAA] =	sst s0  }
0x9: {  	[smem:$0x3FAB] =	sst s1  }
0xa: {  	[smem:$0x3FAC] =	sst s2  }
0xb: {  	[smem:$0x3FAD] =	sst s3  }
0xc: {  	[smem:$0x3FAE] =	sst s4  }
0xd: {  	[smem:$0x3FAF] =	sst s5  }
0xe: {  	[smem:$0x3FB0] =	sst s6  }
0xf: {  	[smem:$0x3FB1] =	sst s7  }
0x10: {  	[smem:$0x3FB2] =	sst s8  }
0x11: {  	[smem:$0x3FB3] =	sst s9;
	s0 =	simm.s32 @!p0 $0x0  }
0x12: {  	s1 =	sld [smem:$0x3F99];
	s0 =	simm.s32 @p0 $0x1  }
0x13: {  	[smem:$0x3FB4] =	sst s0;
	s0 =	simm.s32 @!p1 $0x0  }
0x14: {  	s2 =	sld [smem:$0x3F98];
	s0 =	simm.s32 @p1 $0x1  }
0x15: {  	[smem:$0x3FB5] =	sst s0;
	s0 =	simm.s32 @!p2 $0x0  }
0x16: {  	s3 =	sld [smem:$0x3FDB];
	s0 =	simm.s32 @p2 $0x1  }
0x17: {  	s4 =	simm.s32 $0x1BF5;
	[smem:$0x3FB7] =	sst s0  }
0x18: {  	s0 =	sld [smem:$0x3F9A];
	_ =	swait.ge [sflag:s4], $0x0  }
0x19: {  	s7 =	sld [smem:$0x3F9B]  }
0x1a: {  	s8 =	sadd.s32 $0xFFFFE003, lr  }
0x1b: {  	s9 =	sadd.s32 $0xFFFFFEF7, lr;
	s5 =	simm.s32 $0xFFFFFFFF;
	p2 =	slt.u32 s8, $0xFFFFF086  }
0x1c: {  	p1 =	slt.u32 s9, $0xF7A;
	s5 =	simm.s32 @!p2 $0x0  }
0x1d: {  	s5 =	simm.s32 @p1 $0x1;
	p0 =	seq.s32 s7, s2  }
0x1e: {  	s7 =	smul.u32 @!p0 $0xF7A, s2;
	p2 =	seq.s32 @!p0 s5, $0x0  }
0x1f: {  	s9 =	smul.u32 $0xF7A, s1;
	s8 =	simm.s32 @!p0 $0x1BF5;
	p2 =	por !p2, p0  }
0x20: {  	[sflag:s8] =	ssyncset.s32 @!p0 $0xFFFFF086;
	s6 =	sadd.s32 @!p0 s3, s7;
	s7 =	simm.s32 @!p0 $0x108  }
0x21: {  	s3 =	sadd.s32 s3, s9;
	s6 =	sadd.s32 @!p0 $0x88, s6;
	s7 =	simm.s32 @p2 $0x1082  }
0x22: {  	[simem:s7], [sflag:s8] =	dma.local @!p0 [hbm:s6], $0xF7A  }
0x23: {  	s9 =	sor.u32 $0xD0000000, s2;
	s6 =	simm.s32 $0x108;
	_ =	swait.ge @!p0 [sflag:s8], $0x0  }
0x24: {  	s3 =	sadd.s32 $0x88, s3;
	s6 =	simm.s32 @!p1 $0x1082;
	[sflag:s4] =	ssyncset.s32 $0xFFFFF086  }
0x25: {  	[simem:s6], [sflag:s4] =	dma.local [hbm:s3], $0xF7A  }
0x26: {  	[smem:$0x3F9B] =	sst s1;
	(tag) =	ssettag s2;
	_ =	strace s9  }
0x27: {  	s1 =	sld [smem:$0x3FAB]  }
0x28: {  	s2 =	sld [smem:$0x3FAC]  }
0x29: {  	s4 =	sld [smem:$0x3FAE]  }
0x2a: {  	p0 =	seq.s32 s5, $0x0;
	s5 =	sld [smem:$0x3FAF]  }
0x2b: {  	s6 =	sld [smem:$0x3FB0]  }
0x2c: {  	s7 =	sld [smem:$0x3FB1]  }
0x2d: {  	s3 =	simm.s32 $0x108;
	s8 =	sld [smem:$0x3FB2]  }
0x2e: {  	s3 =	simm.s32 @!p0 $0x1082;
	s9 =	sld [smem:$0x3FB3]  }
0x2f: {  	lr =	sadd.s32 s0, s3;
	s0 =	sld [smem:$0x3FAA]  }
0x30: {  	s3 =	sld [smem:$0x3FAD]  }
0x31: {  	[smem:$0x3FB6] =	sst s10  }
0x32: {  	s10 =	sld [smem:$0x3FB4];
	_ =	sdelay $0x3  }
0x33: {  	p0 =	seq.s32 s10, $0x1;
	s10 =	sld [smem:$0x3FB6];
	_ =	sdelay $0x3  }
0x34: {  	[smem:$0x3FB6] =	sst s10  }
0x35: {  	s10 =	sld [smem:$0x3FB5];
	_ =	sdelay $0x3  }
0x36: {  	p1 =	seq.s32 s10, $0x1;
	s10 =	sld [smem:$0x3FB6];
	_ =	sdelay $0x3  }
0x37: {  	[smem:$0x3FB6] =	sst s10  }
0x38: {  	s10 =	sld [smem:$0x3FB7]  }
0x39: {  	_ = 	snop;
	(pc) =	sbr.ind lr, $3  }
0x3a: {  	_ = 	snop  }
0x3b: {  	_ = 	snop  }
0x3c: {  	p2 =	seq.s32 s10, $0x1;
	s10 =	sld [smem:$0x3FB6]  }
0x3d: {  	_ =	shalt  }
0x3e: {  	_ =	shalt  }
0x3f: {  	_ =	shalt  }
0x40: {  	_ =	shalt  }
0x41: {  	_ =	shalt  }
0x42: {  	_ =	shalt  }
0x43: {  	_ =	shalt  }
0x44: {  	_ =	shalt  }
0x45: {  	_ =	shalt  }
0x46: {  	_ =	shalt  }
0x47: {  	_ =	shalt  }
0x48: {  	_ =	shalt  }
0x49: {  	_ =	shalt  }
0x4a: {  	_ =	shalt  }
0x4b: {  	_ =	shalt  }
0x4c: {  	_ =	shalt  }
0x4d: {  	_ =	shalt  }
0x4e: {  	_ =	shalt  }
0x4f: {  	_ =	shalt  }
0x50: {  	_ =	shalt  }
0x51: {  	_ =	shalt  }
0x52: {  	_ =	shalt  }
0x53: {  	_ =	shalt  }
0x54: {  	_ =	shalt  }
0x55: {  	_ =	shalt  }
0x56: {  	_ =	shalt  }
0x57: {  	_ =	shalt  }
0x58: {  	_ =	shalt  }
0x59: {  	_ =	shalt  }
0x5a: {  	_ =	shalt  }
0x5b: {  	_ =	shalt  }
0x5c: {  	_ =	shalt  }
0x5d: {  	_ =	shalt  }
0x5e: {  	_ =	shalt  }
0x5f: {  	_ =	shalt  }
0x60: {  	_ =	shalt  }
0x61: {  	_ =	shalt  }
0x62: {  	_ =	shalt  }
0x63: {  	_ =	shalt  }
0x64: {  	_ =	shalt  }
0x65: {  	_ =	shalt  }
0x66: {  	_ =	shalt  }
0x67: {  	_ =	shalt  }
0x68: {  	_ =	shalt  }
0x69: {  	_ =	shalt  }
0x6a: {  	_ =	shalt  }
0x6b: {  	_ =	shalt  }
0x6c: {  	_ =	shalt  }
0x6d: {  	_ =	shalt  }
0x6e: {  	_ =	shalt  }
0x6f: {  	_ =	shalt  }
0x70: {  	_ =	shalt  }
0x71: {  	_ =	shalt  }
0x72: {  	_ =	shalt  }
0x73: {  	_ =	shalt  }
0x74: {  	_ =	shalt  }
0x75: {  	_ =	shalt  }
0x76: {  	_ =	shalt  }
0x77: {  	_ =	shalt  }
0x78: {  	_ =	shalt  }
0x79: {  	_ =	shalt  }
0x7a: {  	_ =	shalt  }
0x7b: {  	_ =	shalt  }
0x7c: {  	_ =	shalt  }
0x7d: {  	_ =	shalt  }
0x7e: {  	_ =	shalt  }
0x7f: {  	_ =	shalt  }
0x80: {  	_ =	shalt  }
0x81: {  	_ =	shalt  }
0x82: {  	_ =	shalt  }
0x83: {  	_ =	shalt  }
0x84: {  	_ =	shalt  }
0x85: {  	_ =	shalt  }
0x86: {  	_ =	shalt  }
0x87: {  	_ =	shalt  }
.Lfunc_end0:
.L_simem_size_0:
called_computation_lowered:
.L_overlay_start_0:
0x88: {  	s2 =	sld [smem:$0x3FD9]  }
0x89: {  	s3 =	sld [smem:$0x3FFE];
	_ =	sdelay $0x1  }
0x8a: {  	s1 =	srdreg.scid  }
0x8b: {  	s0 =	sand.u32 $0x1, s1  }
0x8c: {  	s17 =	sshll.u32 s0, $0xA;
	s2 =	sadd.s32 s3, s2  }
0x8d: {  	s2 =	sadd.s32 s2, s17  }
0x8e: {  	[smem:$0x3FC2] =	sst s2  }
0x8f: {  	_ = 	snop  }
0x90: {  	s2 =	sld [smem:$0x3FD0];
	(tm) =	ssettm $0x1  }
0x91: {  	s18 =	sld [smem:$0x3FFB];
	_ =	sdelay $0x3  }
0x92: {  	_ =	strace s18  }
0x93: {  	s3 =	sld [smem:$0x3FFC];
	_ =	sdelay $0x3  }
0x94: {  	_ =	strace s3  }
0x95: {  	s3 =	sld [smem:$0x3FFD];
	_ =	sdelay $0x3  }
0x96: {  	_ =	strace s3  }
0x97: {  	_ =	strace $0x8FFFFFFF  }
0x98: {  	s19 =	sld [smem:$0x3FDB];
	_ =	sdelay $0x1  }
0x99: {  	s4 =	simm.s32 $_scs_section_size  }
0x9a: {  	s5 =	simm.s32 $_size__tile_overlayer_lowered;
	s6 =	simm.s32 $_tile_overlayer_lowered  }
0x9b: {  	s22 =	simm.s32 $0x1BFF;
	s21 =	sshll.u32 s6, $0x1;
	s3 =	sadd.s32 s4, s19  }
0x9c: {  	s7 =	simm.s32 $0x0;
	s20 =	sshll.u32 s5, $0x1;
	s5 =	sadd.s32 s21, s3  }
0x9d: {  	[timem:s7], [sflag:s22] =	dma.local [hbm:s5], s20  }
0x9e: {  	_ =	swait.ge [sflag:s22], s20  }
0x9f: {  	s4 =	ssub.s32 $0x0, s20;
	[sflag:s22] =	ssyncset.done $0x0  }
0xa0: {  	[sflag:s22] =	ssyncadd.s32 s4;
	_ =	sdelay $0x1  }
0xa1: {  	s23 =	simm.s32 $0x1B8B  }
0xa2: {  	_ =	swait.ge [sflag:s23], $0x1  }
0xa3: {  	[sflag:s23] =	ssyncset.done $0x0  }
0xa4: {  	s25 =	simm.s32 $0x1B8E;
	s24 =	sld [smem:$0x3FFE];
	[sflag:s23] =	ssyncadd.s32 $0xFFFFFFFF  }
0xa5: {  	s26 =	simm.s32 $execute0_lowered;
	[smem:$0x3FD2] =	sst s25  }
0xa6: {  	s5 =	sshll.u32 s26, $0x1;
	_ =	strace $0x80000046;
	[dreg:$0x1] =	wrdreg $0xFFFFFFFF  }
0xa7: {  	s28 =	simm.s32 $_size_execute0_lowered;
	s3 =	sadd.s32 s3, s5;
	[dreg:$0x0] =	wrdreg $0x0  }
0xa8: {  	s5 =	sshll.u32 s28, $0x1;
	[dreg:$0x2] =	wrdreg s3  }
0xa9: {  	[dreg:$0x3] =	wrdreg s5  }
0xaa: {  	[dreg:$0x4] =	wrdreg $0xC0  }
0xab: {  	_ =	task [dreg:s7], $0x5FFFF  }
0xac: {  	[dreg:$0x1] =	wrdreg $0xFFFFFFFF  }
0xad: {  	[dreg:$0x0] =	wrdreg $0x60  }
0xae: {  	[dreg:$0x2] =	wrdreg s24  }
0xaf: {  	[dreg:$0x3] =	wrdreg s2  }
0xb0: {  	[dreg:$0x4] =	wrdreg $0x2EE00  }
0xb1: {  	[dreg:$0x5] =	wrdreg $0x9  }
0xb2: {  	_ =	task.clear_ibuf [dreg:s7], $0x6FFFF;
	_ =	strace $0x90000046  }
0xb3: {  	s29 =	simm.s32 $0x9;
	_ =	strace $0x80000048  }
0xb4: {  	_ =	swait.ge [sflag:s29], $0x1  }
0xb5: {  	[sflag:s29] =	ssyncadd.s32 $0xFFFFFFFF  }
0xb6: {  	_ =	strace $0x90000048  }
0xb7: {  	_ =	sfence  }
0xb8: {  	s30 =	sld [smem:$0x0];
	_ =	sdelay $0x2  }
0xb9: {  	s31 =	sshll.u32 s1, $0xD;
	s1 =	sshrl.u32 s1, $0x2  }
0xba: {  	s3 =	sand.u32 $0x4000, s31;
	s1 =	sadd.s32 s1, s30  }
0xbb: {  	s0 =	sor.u32 s3, s0;
	s1 =	sshll.u32 s1, $0x11  }
0xbc: {  	s0 =	sor.u32 s1, s0  }
0xbd: {  	s0 =	sadd.s32 $0x8F2B, s0  }
0xbe: {  	[sflag:s0] =	ssyncadd.remote.s32 $0x1  }
0xbf: {  	_ =	sfence.sel $0xFFFF  }
0xc0: {  	[dreg:$0x0] =	wrdreg $0xFFFFFFFF;
	(pc) =	sbr.abs _section_cstart, $3  }
0xc1: {  	[dreg:$0x1] =	wrdreg $0xFFFFFFFF  }
0xc2: {  	_ =	task.clear_ibuf [dreg:s7], $0x2FFFF;
	_ =	strace $0x9FFFFFFF  }
0xc3: {  	(tm) =	ssettm $0x7FFFFFFF  }
tec
execute0_lowered:
.L_overlay_start_1:
0x0: {  	(tag) =	ssettag $0x1  }
0x1: {  	s5 =	rddreg [dreg:$0x0]  }
0x2: {  	s1 =	srdreg.scid;
	s8 =	rddreg [dreg:$0x1]  }
0x3: {  	s0 =	stileid.u32;
	s2 =	rddreg [dreg:$0x2];
	s3 =	simm.s32 $0x0  }
0x4: {  	s13 =	simm.s32 $0x78;
	s4 =	sand.u32 $0x1, s1;
	s1 =	rddreg [dreg:$0x3]  }
0x5: {  	s14 =	simm.s32 $0x0;
	s26 =	sshll.u32 s0, $0x1;
	[smem:$0x7FF] =	sst s3  }
0x6: {  	s7 =	smul.u32 $0x2780, s0;
	s31 =	sshll.u32 s0, $0x6;
	s6 =	sor.u32 s4, s26  }
0x7: {  	_ =	strace $0x80000047;
	s10 =	ssub.s32 $0x2, s4;
	s11 =	smul.u32 $0x27800, s4  }
0x8: {  	s4 =	sadd.s32 $0x16C00, s5;
	s6 =	smul.u32 $0x4EC, s6;
	s29 =	sshrl.u32 s10, $0x1  }
0x9: {  	s28 =	sshrl.u32 s7, $0x3;
	s12 =	sadd.s32 s7, s2;
	s10 =	ssub.s32 s10, s29  }
0xa: {  	s30 =	sadd.s32 s7, s11;
	s9 =	sadd.s32 s6, s5;
	s5 =	sadd.s32 s28, s5  }
0xb: {  	s11 =	sshrl.u32 s30, $0x3;
	s6 =	sor.u32 $0x1C01, s31;
	s5 =	sadd.s32 $0x16E00, s5  }
0xc: {  	s7 =	sadd.s32 $0x3000, s9;
	s8 =	sadd.s32 s8, s11;
	s9 =	smax.u32 s10, $0x1  }
0xd: {  	s10 =	sshrl.u32 s12, $0x3;
	s11 =	simm.s32 $0x1;
	s12 =	simm.s32 $0x2760  }
.LBB2_1:
0xe: {  	[spmem:s10], [sflag:s6] =	dma.local [hbm:s5], $0x4F0  }
0xf: {  	_ =	swait.ge [sflag:s11], $0x4F0  }
0x10: {  	[sflag:s11] =	ssyncset.done $0x0  }
0x11: {  	[sflag:s11] =	ssyncadd.s32 $0xFFFFFB10  }
0x12: {  	[tilespmem:s12], [sflag:$0x1] =	stream.linear.gather [hbm4b:s4+s3], $0x780, $0x38;
	[tilespmem:$0x5660] =	vst v63  }
0x13: {  	_ =	swait.ge [sflag:s11], $0x780  }
0x14: {  	[sflag:s11] =	ssyncset.done $0x0  }
0x15: {  	[sflag:s11] =	ssyncadd.s32 $0xFFFFF880  }
0x16: {  	[tilespmem:s3], [sflag:$0x1] =	stream.linear.gather [hbm4b:s7+s3], $0x2760, $0x38;
	[tilespmem:$0x5660] =	vst v63  }
0x17: {  	_ =	swait.ge [sflag:s11], $0x2760  }
0x18: {  	[sflag:s11] =	ssyncset.done $0x0  }
0x19: {  	[sflag:s11] =	ssyncadd.s32 $0xFFFFD8A0  }
0x1a: {  	s15 =	simm.s32 $0x0;
	[bflag:$0x0] =	sbarrier.arrive $0xFFFF  }
0x1b: {  	[spmem:s2] =	stream.indirect.scatter.add.f32 [tilespmem:s12], [sflag:$0x1], $0x10, s15, s13, $0xb8;
	[tilespmem:$0x5660] =	vst v63  }
0x1c: {  	_ =	swait.ge [sflag:s11], $0x780  }
0x1d: {  	s15 =	simm.s32 $0x1E0;
	[sflag:s11] =	ssyncset.done $0x0  }
.LBB2_2:
0x1e: {  	s16 =	sshra.s32 s15, $0x2;
	[sflag:s11] =	ssyncadd.s32 $0xFFFFF880;
	p0 =	sne.s32 s15, $0x9BA0  }
0x1f: {  	[spmem:s2] =	stream.indirect.scatter.add.f32 [tilespmem:s12], [sflag:$0x1], $0x10, s16, s13, $0xb8;
	[tilespmem:$0x5660] =	vst v63  }
.Ltmp0:
0x20: {  	_ = 	snop;
	(pc) =	sbr.rel @p0 .LBB2_2-.Ltmp0, $4  }
0x21: {  	_ = 	snop  }
0x22: {  	s15 =	sadd.s32 $0x1E0, s15  }
0x23: {  	_ =	swait.ge [sflag:s11], $0x780  }
0x24: {  	[sflag:s11] =	ssyncset.done $0x0  }
0x25: {  	s14 =	sadd.s32 $0x1, s14  }
0x26: {  	[sflag:s11] =	ssyncadd.s32 $0xFFFFF880;
	p0 =	sne.s32 s14, s9  }
.Ltmp1:
0x27: {  	[bflag:$0x0] =	sbarrier.arrive $0xFFFF;
	(pc) =	sbr.rel @p0 .LBB2_1-.Ltmp1, $4  }
0x28: {  	[hbm:s8], [sflag:s6] =	dma.local [spmem:s10], $0x4F0  }
0x29: {  	_ =	swait.ge [sflag:s11], $0x4F0  }
0x2a: {  	[sflag:s11] =	ssyncset.done $0x0  }
0x2b: {  	[sflag:s11] =	ssyncadd.s32 $0xFFFFFB10  }
0x2c: {  	_ =	sfence.sel $0x180000  }
0x2d: {  	[bflag:$0x0] =	sbarrier.arrive $0xFFFF  }
0x2e: {  	p0 =	sne.s32 s0, $0x0;
	_ =	strace $0x90000047  }
0x2f: {  	s0 =	sadd.s32 @!p0 $0x100000, s1;
	[bflag:$0x2] =	sbarrier.arrive $0xFFFF  }
0x30: {  	[sflag:s0] =	ssyncadd.tile.s32 @!p0 $0x1;
	_ =	shalt  }
.Lfunc_end2:
_tile_overlayer_lowered:
.L_overlay_start_2:
0x31: {  	(tag) =	ssettag $0x2  }
0x32: {  	s0 =	rddreg [dreg:$0x0];
	s2 =	stileid.u32  }
0x33: {  	s1 =	rddreg [dreg:$0x1];
	p0 =	sne.s32 s2, $0x0  }
0x34: {  	s3 =	rddreg [dreg:$0x2];
	[bflag:$0x3] =	sbarrier.arrive $0xFFFF;
	s2 =	simm.s32 @!p0 $0x1C01  }
0x35: {  	[timem:s3], [sflag:s2] =	dma.local @!p0 [hbm:s0], s1  }
0x36: {  	s0 =	simm.s32 @!p0 $0x1  }
0x37: {  	_ =	swait.ge @!p0 [sflag:s0], s1  }
0x38: {  	s1 =	ssub.s32 @!p0 $0x0, s1;
	[sflag:s0] =	ssyncset.done @!p0 $0x0  }
0x39: {  	[sflag:s0] =	ssyncadd.s32 @!p0 s1  }
0x3a: {  	[bflag:$0x3] =	sbarrier.arrive $0xFFFF  }
0x3b: {  	_ =	shalt  }

</sc_bundles>
